<compile_context>
chip_gen: v7x
topology: tpu7x:2x2x1
jax: 0.10.2.dev20260603
libtpu: 0.0.44.dev20260713+nightly
codegen_flags: <defaults>
</compile_context>

<pallas_src>
import numpy as np
import jax
import jax.numpy as jnp
from jax import lax
from jax.experimental import pallas as pl
from jax.experimental.pallas import tpu as pltpu
from jax.experimental.pallas import tpu_sc as plsc

_NUM_ANCHORS = 9
_PRE_NMS_TOP_N = 6000
_POST_NMS_TOP_N = 300
_NMS_THRESH = 0.7
_H, _W = 38, 63
_N = _H * _W * _NUM_ANCHORS
_ROWS = 176
_NP = _ROWS * 128
_C_ROWS = 48
_NC = _C_ROWS * 128
_SCAT_N = _NC + _NP
_NWORK = 22
_WROWS = 8
_NEG_INF = float("-inf")


def _anchor_table(base_size=16, ratios=(0.5, 1.0, 2.0), scales=(8, 16, 32)):
    def whctrs(a):
        w = a[2] - a[0] + 1.0
        h = a[3] - a[1] + 1.0
        return w, h, a[0] + 0.5 * (w - 1), a[1] + 0.5 * (h - 1)

    def mk(ws, hs, xc, yc):
        ws = np.asarray(ws, dtype=np.float64)[:, None]
        hs = np.asarray(hs, dtype=np.float64)[:, None]
        return np.hstack([xc - 0.5 * (ws - 1), yc - 0.5 * (hs - 1),
                          xc + 0.5 * (ws - 1), yc + 0.5 * (hs - 1)])

    base = np.array([0, 0, base_size - 1, base_size - 1], dtype=np.float64)
    w, h, xc, yc = whctrs(base)
    size = w * h
    sr = size / np.array(ratios, dtype=np.float64)
    ws = np.round(np.sqrt(sr))
    hs = np.round(ws * np.array(ratios, dtype=np.float64))
    ratio_anchors = mk(ws, hs, xc, yc)
    out = []
    for a in ratio_anchors:
        w, h, xc, yc = whctrs(a)
        out.append(mk(w * np.array(scales, dtype=np.float64),
                      h * np.array(scales, dtype=np.float64), xc, yc))
    return np.vstack(out).astype(np.float32)


_A9 = _anchor_table()


def _decode_body(info_ref, sc_ref, dx_ref, dy_ref, dw_ref, dh_ref,
                 s_out, x1_out, y1_out, x2_out, y2_out, pos_out):
    f32 = jnp.float32
    im_h = info_ref[0]
    im_w = info_ref[1]
    scale = info_ref[2]

    ri = lax.broadcasted_iota(jnp.int32, (_ROWS, 128), 0)
    ci = lax.broadcasted_iota(jnp.int32, (_ROWS, 128), 1)
    n = ri * 128 + ci
    pos = n // _NUM_ANCHORS
    a = n - pos * _NUM_ANCHORS
    wi = pos - (pos // _W) * _W
    hi = pos // _W
    sx = wi.astype(f32) * 16.0
    sy = hi.astype(f32) * 16.0

    def a_sel(col):
        v = jnp.full((_ROWS, 128), float(_A9[0, col]), f32)
        for k in range(1, _NUM_ANCHORS):
            v = jnp.where(a == k, float(_A9[k, col]), v)
        return v

    ax1 = a_sel(0) + sx
    ay1 = a_sel(1) + sy
    ax2 = a_sel(2) + sx
    ay2 = a_sel(3) + sy

    widths = ax2 - ax1 + 1.0
    heights = ay2 - ay1 + 1.0
    ctr_x = ax1 + 0.5 * widths
    ctr_y = ay1 + 0.5 * heights

    dxv = dx_ref[...]
    dyv = dy_ref[...]
    dwv = jnp.clip(dw_ref[...], -10.0, 10.0)
    dhv = jnp.clip(dh_ref[...], -10.0, 10.0)

    pcx = dxv * widths + ctr_x
    pcy = dyv * heights + ctr_y
    pw = jnp.exp(dwv) * widths
    ph = jnp.exp(dhv) * heights

    x1 = jnp.clip(pcx - 0.5 * pw, 0.0, im_w - 1.0)
    y1 = jnp.clip(pcy - 0.5 * ph, 0.0, im_h - 1.0)
    x2 = jnp.clip(pcx + 0.5 * pw, 0.0, im_w - 1.0)
    y2 = jnp.clip(pcy + 0.5 * ph, 0.0, im_h - 1.0)

    ww = x2 - x1 + 1.0
    hh = y2 - y1 + 1.0
    min_sz = 16.0 * scale
    keep = (ww >= min_sz) & (hh >= min_sz)
    s = jnp.where(keep, sc_ref[...], _NEG_INF)

    key = lax.bitcast_convert_type(s, jnp.int32)
    klo = jnp.int32(np.float32(_NEG_INF).view(np.int32))
    khi = jnp.int32(np.float32(1.0).view(np.int32))

    def bs_body(_, lohi):
        lo, hi = lohi
        mid = lo + (hi - lo + 1) // 2
        cnt = jnp.sum((key >= mid).astype(jnp.int32))
        feas = cnt >= _PRE_NMS_TOP_N
        return (jnp.where(feas, mid, lo), jnp.where(feas, hi, mid - 1))

    vkey, _ = lax.fori_loop(0, 31, bs_body, (klo, khi))

    u_lane = (lax.broadcasted_iota(jnp.int32, (128, 128), 0)
              < lax.broadcasted_iota(jnp.int32, (128, 128), 1)).astype(f32)
    v_row = (lax.broadcasted_iota(jnp.int32, (_ROWS, _ROWS), 1)
             < lax.broadcasted_iota(jnp.int32, (_ROWS, _ROWS), 0)).astype(f32)

    def prefix_excl(mask_f):
        p_lane = jnp.dot(mask_f, u_lane, preferred_element_type=f32)
        p_row = jnp.sum(jnp.dot(v_row, mask_f, preferred_element_type=f32),
                        axis=1, keepdims=True)
        return p_lane + p_row

    cnt_gt = jnp.sum((key > vkey).astype(f32))
    brem = jnp.float32(_PRE_NMS_TOP_N) - cnt_gt
    tie = (key == vkey).astype(f32)
    tie_prefix = prefix_excl(tie)
    elig = (key > vkey) | ((key == vkey) & (tie_prefix < brem))

    slot_f = prefix_excl(elig.astype(f32))

    s_out[...] = jnp.where(elig, s, _NEG_INF)
    x1_out[...] = x1
    y1_out[...] = y1
    x2_out[...] = x2
    y2_out[...] = y2
    pos_out[...] = jnp.where(elig, slot_f.astype(jnp.int32), _NC + n)


def _decode(info, sc, dx, dy, dw, dh):
    shp = jax.ShapeDtypeStruct((_ROWS, 128), jnp.float32)
    return pl.pallas_call(
        _decode_body,
        out_shape=[shp, shp, shp, shp, shp,
                   jax.ShapeDtypeStruct((_ROWS, 128), jnp.int32)],
        in_specs=[pl.BlockSpec(memory_space=pltpu.SMEM)]
        + [pl.BlockSpec(memory_space=pltpu.VMEM)] * 5,
        out_specs=[pl.BlockSpec(memory_space=pltpu.VMEM)] * 6,
    )(info, sc, dx, dy, dw, dh)


def _compact_body(s_h, x1_h, y1_h, x2_h, y2_h, pos_h,
                  s_o, x1_o, y1_o, x2_o, y2_o,
                  sv, x1v, y1v, x2v, y2v, posv, sem):
    wid = lax.axis_index("s") * 2 + lax.axis_index("c")

    @pl.when(wid < _NWORK)
    def _():
        r0 = wid * _WROWS
        for h, v in zip((s_h, x1_h, y1_h, x2_h, y2_h, pos_h),
                        (sv, x1v, y1v, x2v, y2v, posv)):
            pltpu.sync_copy(h.at[pl.ds(r0, _WROWS)], v)

        vals = (sv, x1v, y1v, x2v, y2v)
        outs = (s_o, x1_o, y1_o, x2_o, y2_o)

        @pl.loop(0, _WROWS)
        def _(j):
            for v, o in zip(vals, outs):
                pltpu.make_async_copy(v.at[j], o.at[posv.at[j]], sem).start()

        @pl.loop(0, _WROWS)
        def _(j):
            for v, o in zip(vals, outs):
                pltpu.make_async_copy(v.at[j], o.at[posv.at[j]], sem).wait()


def _compact(s, x1, y1, x2, y2, pos):
    oshp = jax.ShapeDtypeStruct((_SCAT_N,), jnp.float32)
    run = pl.kernel(
        _compact_body,
        mesh=plsc.VectorSubcoreMesh(core_axis_name="c", subcore_axis_name="s"),
        out_type=[oshp] * 5,
        scratch_types=[pltpu.VMEM((_WROWS, 128), jnp.float32)] * 5
        + [pltpu.VMEM((_WROWS, 128), jnp.int32),
           pltpu.SemaphoreType.DMA],
    )
    return run(s, x1, y1, x2, y2, pos)


def _nms_body(s_in, x1_ref, y1_ref, x2_ref, y2_ref, out_ref, s_ref):
    slot = (lax.broadcasted_iota(jnp.int32, (_C_ROWS, 128), 0) * 128
            + lax.broadcasted_iota(jnp.int32, (_C_ROWS, 128), 1))
    s_ref[...] = jnp.where(slot < _PRE_NMS_TOP_N, s_in[...], _NEG_INF)
    x1v = x1_ref[...]
    y1v = y1_ref[...]
    x2v = x2_ref[...]
    y2v = y2_ref[...]
    arv = (x2v - x1v + 1.0) * (y2v - y1v + 1.0)
    slot_f = slot.astype(jnp.float32)
    lane = lax.broadcasted_iota(jnp.int32, (1, 128), 1)

    def nms_step(r, _):
        sv = s_ref[...]
        m = jnp.max(sv, keepdims=True)
        ii = jnp.min(jnp.where(sv == m, slot_f, jnp.float32(_NC)),
                     keepdims=True)
        sel = slot_f == ii

        bx1 = jnp.sum(jnp.where(sel, x1v, 0.0), keepdims=True)
        by1 = jnp.sum(jnp.where(sel, y1v, 0.0), keepdims=True)
        bx2 = jnp.sum(jnp.where(sel, x2v, 0.0), keepdims=True)
        by2 = jnp.sum(jnp.where(sel, y2v, 0.0), keepdims=True)
        bar = (bx2 - bx1 + 1.0) * (by2 - by1 + 1.0)

        xx1 = jnp.maximum(bx1, x1v)
        yy1 = jnp.maximum(by1, y1v)
        xx2 = jnp.minimum(bx2, x2v)
        yy2 = jnp.minimum(by2, y2v)
        w = jnp.maximum(0.0, xx2 - xx1 + 1.0)
        h = jnp.maximum(0.0, yy2 - yy1 + 1.0)
        inter = w * h
        iou = inter / (bar + arv - inter)
        s_ref[...] = jnp.where(iou > _NMS_THRESH, _NEG_INF, sv)

        vs = jnp.where(m > _NEG_INF, 1.0, 0.0)
        row = vs * (jnp.where(lane == 1, bx1, 0.0)
                    + jnp.where(lane == 2, by1, 0.0)
                    + jnp.where(lane == 3, bx2, 0.0)
                    + jnp.where(lane == 4, by2, 0.0))
        out_ref[pl.ds(r, 1), :] = row
        return 0

    lax.fori_loop(0, _POST_NMS_TOP_N, nms_step, 0)


def _nms(s, x1, y1, x2, y2):
    return pl.pallas_call(
        _nms_body,
        out_shape=jax.ShapeDtypeStruct((_POST_NMS_TOP_N + 4, 128), jnp.float32),
        in_specs=[pl.BlockSpec(memory_space=pltpu.VMEM)] * 5,
        out_specs=pl.BlockSpec(memory_space=pltpu.VMEM),
        scratch_shapes=[pltpu.VMEM((_C_ROWS, 128), jnp.float32)],
    )(s[:_NC].reshape(_C_ROWS, 128), x1[:_NC].reshape(_C_ROWS, 128),
      y1[:_NC].reshape(_C_ROWS, 128), x2[:_NC].reshape(_C_ROWS, 128),
      y2[:_NC].reshape(_C_ROWS, 128))


def kernel(scores, bbox_deltas, im_info):
    sc = jnp.transpose(scores[0, _NUM_ANCHORS:, :, :], (1, 2, 0)).reshape(-1)
    d = jnp.transpose(bbox_deltas[0], (1, 2, 0)).reshape(-1, 4)
    pad = _NP - _N
    sc = jnp.concatenate([sc, jnp.full((pad,), _NEG_INF, jnp.float32)])
    sc = sc.reshape(_ROWS, 128)
    zp = jnp.zeros((pad,), jnp.float32)
    dx = jnp.concatenate([d[:, 0], zp]).reshape(_ROWS, 128)
    dy = jnp.concatenate([d[:, 1], zp]).reshape(_ROWS, 128)
    dw = jnp.concatenate([d[:, 2], zp]).reshape(_ROWS, 128)
    dh = jnp.concatenate([d[:, 3], zp]).reshape(_ROWS, 128)

    s0, x1, y1, x2, y2, pos = _decode(im_info[0], sc, dx, dy, dw, dh)
    scc, x1c, y1c, x2c, y2c = _compact(s0, x1, y1, x2, y2, pos)
    out = _nms(scc, x1c, y1c, x2c, y2c)
    return out[:_POST_NMS_TOP_N, :5]

# --- scband reference (transcript-rebuilt; emitter-appended) ---
"""Pipeline reference for scband-proposal-layer-40467181863113 (READ-ONLY COPY).

The authoritative reference and input builder live on the scoring server;
editing this copy changes nothing except your own understanding.
"""

import jax, jax.numpy as jnp
import numpy as np

FEAT_STRIDE = 16
NUM_ANCHORS = 9
PRE_NMS_TOP_N = 6000
POST_NMS_TOP_N = 300
NMS_THRESH = 0.7
MIN_SIZE = 16


def _generate_anchors(base_size=16, ratios=(0.5, 1.0, 2.0), scales=(8, 16, 32)):
    def whctrs(a):
        w = a[2] - a[0] + 1.0
        h = a[3] - a[1] + 1.0
        return w, h, a[0] + 0.5 * (w - 1), a[1] + 0.5 * (h - 1)

    def mk(ws, hs, xc, yc):
        ws = np.asarray(ws, dtype=np.float64)[:, None]
        hs = np.asarray(hs, dtype=np.float64)[:, None]
        return np.hstack([xc - 0.5 * (ws - 1), yc - 0.5 * (hs - 1), xc + 0.5 * (ws - 1), yc + 0.5 * (hs - 1)])

    base = np.array([0, 0, base_size - 1, base_size - 1], dtype=np.float64)
    w, h, xc, yc = whctrs(base)
    size = w * h
    sr = size / np.array(ratios, dtype=np.float64)
    ws = np.round(np.sqrt(sr))
    hs = np.round(ws * np.array(ratios, dtype=np.float64))
    ratio_anchors = mk(ws, hs, xc, yc)
    out = []
    for a in ratio_anchors:
        w, h, xc, yc = whctrs(a)
        out.append(mk(w * np.array(scales, dtype=np.float64), h * np.array(scales, dtype=np.float64), xc, yc))
    return np.vstack(out).astype(np.float32)


def _nms_indices(boxes, scores, thresh, max_out):
    boxes = jax.lax.stop_gradient(boxes)
    scores = jax.lax.stop_gradient(scores)
    areas = (boxes[:, 2] - boxes[:, 0] + 1.0) * (boxes[:, 3] - boxes[:, 1] + 1.0)

    def body(s, _):
        i = jnp.argmax(s)
        valid = s[i] > -jnp.inf
        box = boxes[i]
        xx1 = jnp.maximum(box[0], boxes[:, 0])
        yy1 = jnp.maximum(box[1], boxes[:, 1])
        xx2 = jnp.minimum(box[2], boxes[:, 2])
        yy2 = jnp.minimum(box[3], boxes[:, 3])
        w = jnp.maximum(0.0, xx2 - xx1 + 1.0)
        h = jnp.maximum(0.0, yy2 - yy1 + 1.0)
        inter = w * h
        iou = inter / (areas[i] + areas - inter)
        s = jnp.where(iou > thresh, -jnp.inf, s)
        s = s.at[i].set(-jnp.inf)
        return s, (i, valid)

    _, (idxs, valids) = jax.lax.scan(body, scores, None, length=max_out)
    return idxs, valids


def _forward(scores, bbox_deltas, im_info):
    A = NUM_ANCHORS
    anchors9 = jnp.asarray(_generate_anchors())
    scores = scores[:, A:, :, :]
    info = im_info[0]
    H, W = scores.shape[-2], scores.shape[-1]
    shift_x = jnp.arange(W, dtype=jnp.float32) * FEAT_STRIDE
    shift_y = jnp.arange(H, dtype=jnp.float32) * FEAT_STRIDE
    sy, sx = jnp.meshgrid(shift_y, shift_x, indexing='ij')
    shifts = jnp.stack([sx.ravel(), sy.ravel(), sx.ravel(), sy.ravel()], axis=1)
    K = shifts.shape[0]
    anchors = (anchors9.reshape(1, A, 4) + shifts.reshape(K, 1, 4)).reshape(K * A, 4)
    deltas = jnp.transpose(bbox_deltas, (0, 2, 3, 1)).reshape(-1, 4)
    deltas = jnp.concatenate([deltas[:, :2], jnp.clip(deltas[:, 2:], -10.0, 10.0)], axis=1)
    sc = jnp.transpose(scores, (0, 2, 3, 1)).reshape(-1)
    widths = anchors[:, 2] - anchors[:, 0] + 1.0
    heights = anchors[:, 3] - anchors[:, 1] + 1.0
    ctr_x = anchors[:, 0] + 0.5 * widths
    ctr_y = anchors[:, 1] + 0.5 * heights
    dx, dy, dw, dh = deltas[:, 0], deltas[:, 1], deltas[:, 2], deltas[:, 3]
    pcx = dx * widths + ctr_x
    pcy = dy * heights + ctr_y
    pw = jnp.exp(dw) * widths
    ph = jnp.exp(dh) * heights
    x1 = jnp.clip(pcx - 0.5 * pw, 0.0, info[1] - 1.0)
    y1 = jnp.clip(pcy - 0.5 * ph, 0.0, info[0] - 1.0)
    x2 = jnp.clip(pcx + 0.5 * pw, 0.0, info[1] - 1.0)
    y2 = jnp.clip(pcy + 0.5 * ph, 0.0, info[0] - 1.0)
    proposals = jnp.stack([x1, y1, x2, y2], axis=1)
    min_sz = MIN_SIZE * info[2]
    keep_mask = ((x2 - x1 + 1.0) >= min_sz) & ((y2 - y1 + 1.0) >= min_sz)
    sc_f = jnp.where(keep_mask, sc, -jnp.inf)
    top_scores, order = jax.lax.top_k(sc_f, PRE_NMS_TOP_N)
    props = proposals[order]
    keep_idx, valid = _nms_indices(props, top_scores, NMS_THRESH, POST_NMS_TOP_N)
    props_k = props[keep_idx] * valid[:, None].astype(props.dtype)
    out = jnp.concatenate([jnp.zeros((POST_NMS_TOP_N, 1), dtype=props_k.dtype), props_k], axis=1)
    return out


def setup_inputs(seed: int = 0):
    key = jax.random.key(seed)
    k1, k2 = jax.random.split(key)
    scores = jax.random.uniform(k1, (1, 2 * NUM_ANCHORS, 38, 63), dtype=jnp.float32)
    bbox_deltas = jax.random.normal(k2, (1, 4 * NUM_ANCHORS, 38, 63), dtype=jnp.float32)
    im_info = jnp.array([[608.0, 1008.0, 1.0]], dtype=jnp.float32)
    return {"scores": scores, "bbox_deltas": bbox_deltas, "im_info": im_info}


def reference(scores, bbox_deltas, im_info):
    return _forward(scores, bbox_deltas, im_info)

if __name__ == "__main__":
    import jax
    _d = setup_inputs()
    print(jax.jit(kernel)(*tuple(_d.values())))

</pallas_src>

<mosaic_0001>
#map = affine_map<(d0, d1) -> (0, 0)>
#map1 = affine_map<(d0, d1) -> (0)>
module attributes {stable_mosaic.version = 14 : i64} {
  func.func @_compact_body(%arg0: i32, %arg1: i32, %arg2: memref<176x128xf32, #tpu.memory_space<hbm>>, %arg3: memref<176x128xf32, #tpu.memory_space<hbm>>, %arg4: memref<176x128xf32, #tpu.memory_space<hbm>>, %arg5: memref<176x128xf32, #tpu.memory_space<hbm>>, %arg6: memref<176x128xf32, #tpu.memory_space<hbm>>, %arg7: memref<176x128xi32, #tpu.memory_space<hbm>>, %arg8: memref<28672xf32, #tpu.memory_space<hbm>>, %arg9: memref<28672xf32, #tpu.memory_space<hbm>>, %arg10: memref<28672xf32, #tpu.memory_space<hbm>>, %arg11: memref<28672xf32, #tpu.memory_space<hbm>>, %arg12: memref<28672xf32, #tpu.memory_space<hbm>>, %arg13: memref<8x128xf32, #tpu.memory_space<vmem>>, %arg14: memref<8x128xf32, #tpu.memory_space<vmem>>, %arg15: memref<8x128xf32, #tpu.memory_space<vmem>>, %arg16: memref<8x128xf32, #tpu.memory_space<vmem>>, %arg17: memref<8x128xf32, #tpu.memory_space<vmem>>, %arg18: memref<8x128xi32, #tpu.memory_space<vmem>>, %arg19: memref<!tpu.dma_semaphore, #tpu.memory_space<semaphore_mem>>) attributes {dimension_semantics = [#tpu.dimension_semantics<core_parallel>, #tpu.dimension_semantics<subcore_parallel>], iteration_bounds = array<i64: 2, 16>, scalar_prefetch = 0 : i64, scratch_operands = 7 : i64, tpu.core_type = #tpu.core_type<sc_vector_subcore>, window_params = [{transform_indices = #map}, {transform_indices = #map}, {transform_indices = #map}, {transform_indices = #map}, {transform_indices = #map}, {transform_indices = #map}, {transform_indices = #map1}, {transform_indices = #map1}, {transform_indices = #map1}, {transform_indices = #map1}, {transform_indices = #map1}]} {
    %mul3A = arith.constant 2 : i32
    %mul3A_0 = arith.muli %arg1, %mul3A : i32
    %add3A = arith.addi %mul3A_0, %arg0 : i32
    %lt3A = arith.constant 22 : i32
    %lt3A_1 = arith.cmpi slt, %add3A, %lt3A : i32
    %convert_element_type3A = arith.extui %lt3A_1 : i1 to i32
    %cond3A = arith.constant 0 : i32
    %cond3A_2 = arith.cmpi ne, %convert_element_type3A, %cond3A : i32
    scf.if %cond3A_2 {
      %mul3A_3 = arith.constant 8 : i32
      %mul3A_4 = arith.muli %add3A, %mul3A_3 : i32
      "tpu.region"() ({
        %run_scoped3A = tpu.sem_alloc : memref<!tpu.dma_semaphore, #tpu.memory_space<semaphore_mem>>
        %dma_start3A = arith.constant 0 : i32
        %dma_start3A_14 = tpu.memref_slice %arg2[%mul3A_4, %dma_start3A] : memref<176x128xf32, #tpu.memory_space<hbm>> -> memref<8x128xf32, #tpu.memory_space<hbm>>
        %dma_start3A_15 = arith.constant 0 : i32
        %dma_start3A_16 = tpu.memref_slice %arg2[%mul3A_4, %dma_start3A_15] : memref<176x128xf32, #tpu.memory_space<hbm>> -> memref<8x128xf32, #tpu.memory_space<hbm>>
        tpu.enqueue_dma source(%dma_start3A_16 : memref<8x128xf32, #tpu.memory_space<hbm>>) target(%arg13 : memref<8x128xf32, #tpu.memory_space<vmem>>) target_semaphore(%run_scoped3A : memref<!tpu.dma_semaphore, #tpu.memory_space<semaphore_mem>>)
        %dma_wait3A = arith.constant 0 : i32
        %dma_wait3A_17 = tpu.memref_slice %arg2[%mul3A_4, %dma_wait3A] : memref<176x128xf32, #tpu.memory_space<hbm>> -> memref<8x128xf32, #tpu.memory_space<hbm>>
        %dma_wait3A_18 = arith.constant 0 : i32
        %dma_wait3A_19 = tpu.memref_slice %arg2[%mul3A_4, %dma_wait3A_18] : memref<176x128xf32, #tpu.memory_space<hbm>> -> memref<8x128xf32, #tpu.memory_space<hbm>>
        tpu.wait_dma2 semaphore(%run_scoped3A : memref<!tpu.dma_semaphore, #tpu.memory_space<semaphore_mem>>) src(%dma_wait3A_19 : memref<8x128xf32, #tpu.memory_space<hbm>>) dst(%arg13 : memref<8x128xf32, #tpu.memory_space<vmem>>)
        tpu.yield
      }) : () -> ()
      "tpu.region"() ({
        %run_scoped3A = tpu.sem_alloc : memref<!tpu.dma_semaphore, #tpu.memory_space<semaphore_mem>>
        %dma_start3A = arith.constant 0 : i32
        %dma_start3A_14 = tpu.memref_slice %arg3[%mul3A_4, %dma_start3A] : memref<176x128xf32, #tpu.memory_space<hbm>> -> memref<8x128xf32, #tpu.memory_space<hbm>>
        %dma_start3A_15 = arith.constant 0 : i32
        %dma_start3A_16 = tpu.memref_slice %arg3[%mul3A_4, %dma_start3A_15] : memref<176x128xf32, #tpu.memory_space<hbm>> -> memref<8x128xf32, #tpu.memory_space<hbm>>
        tpu.enqueue_dma source(%dma_start3A_16 : memref<8x128xf32, #tpu.memory_space<hbm>>) target(%arg14 : memref<8x128xf32, #tpu.memory_space<vmem>>) target_semaphore(%run_scoped3A : memref<!tpu.dma_semaphore, #tpu.memory_space<semaphore_mem>>)
        %dma_wait3A = arith.constant 0 : i32
        %dma_wait3A_17 = tpu.memref_slice %arg3[%mul3A_4, %dma_wait3A] : memref<176x128xf32, #tpu.memory_space<hbm>> -> memref<8x128xf32, #tpu.memory_space<hbm>>
        %dma_wait3A_18 = arith.constant 0 : i32
        %dma_wait3A_19 = tpu.memref_slice %arg3[%mul3A_4, %dma_wait3A_18] : memref<176x128xf32, #tpu.memory_space<hbm>> -> memref<8x128xf32, #tpu.memory_space<hbm>>
        tpu.wait_dma2 semaphore(%run_scoped3A : memref<!tpu.dma_semaphore, #tpu.memory_space<semaphore_mem>>) src(%dma_wait3A_19 : memref<8x128xf32, #tpu.memory_space<hbm>>) dst(%arg14 : memref<8x128xf32, #tpu.memory_space<vmem>>)
        tpu.yield
      }) : () -> ()
      "tpu.region"() ({
        %run_scoped3A = tpu.sem_alloc : memref<!tpu.dma_semaphore, #tpu.memory_space<semaphore_mem>>
        %dma_start3A = arith.constant 0 : i32
        %dma_start3A_14 = tpu.memref_slice %arg4[%mul3A_4, %dma_start3A] : memref<176x128xf32, #tpu.memory_space<hbm>> -> memref<8x128xf32, #tpu.memory_space<hbm>>
        %dma_start3A_15 = arith.constant 0 : i32
        %dma_start3A_16 = tpu.memref_slice %arg4[%mul3A_4, %dma_start3A_15] : memref<176x128xf32, #tpu.memory_space<hbm>> -> memref<8x128xf32, #tpu.memory_space<hbm>>
        tpu.enqueue_dma source(%dma_start3A_16 : memref<8x128xf32, #tpu.memory_space<hbm>>) target(%arg15 : memref<8x128xf32, #tpu.memory_space<vmem>>) target_semaphore(%run_scoped3A : memref<!tpu.dma_semaphore, #tpu.memory_space<semaphore_mem>>)
        %dma_wait3A = arith.constant 0 : i32
        %dma_wait3A_17 = tpu.memref_slice %arg4[%mul3A_4, %dma_wait3A] : memref<176x128xf32, #tpu.memory_space<hbm>> -> memref<8x128xf32, #tpu.memory_space<hbm>>
        %dma_wait3A_18 = arith.constant 0 : i32
        %dma_wait3A_19 = tpu.memref_slice %arg4[%mul3A_4, %dma_wait3A_18] : memref<176x128xf32, #tpu.memory_space<hbm>> -> memref<8x128xf32, #tpu.memory_space<hbm>>
        tpu.wait_dma2 semaphore(%run_scoped3A : memref<!tpu.dma_semaphore, #tpu.memory_space<semaphore_mem>>) src(%dma_wait3A_19 : memref<8x128xf32, #tpu.memory_space<hbm>>) dst(%arg15 : memref<8x128xf32, #tpu.memory_space<vmem>>)
        tpu.yield
      }) : () -> ()
      "tpu.region"() ({
        %run_scoped3A = tpu.sem_alloc : memref<!tpu.dma_semaphore, #tpu.memory_space<semaphore_mem>>
        %dma_start3A = arith.constant 0 : i32
        %dma_start3A_14 = tpu.memref_slice %arg5[%mul3A_4, %dma_start3A] : memref<176x128xf32, #tpu.memory_space<hbm>> -> memref<8x128xf32, #tpu.memory_space<hbm>>
        %dma_start3A_15 = arith.constant 0 : i32
        %dma_start3A_16 = tpu.memref_slice %arg5[%mul3A_4, %dma_start3A_15] : memref<176x128xf32, #tpu.memory_space<hbm>> -> memref<8x128xf32, #tpu.memory_space<hbm>>
        tpu.enqueue_dma source(%dma_start3A_16 : memref<8x128xf32, #tpu.memory_space<hbm>>) target(%arg16 : memref<8x128xf32, #tpu.memory_space<vmem>>) target_semaphore(%run_scoped3A : memref<!tpu.dma_semaphore, #tpu.memory_space<semaphore_mem>>)
        %dma_wait3A = arith.constant 0 : i32
        %dma_wait3A_17 = tpu.memref_slice %arg5[%mul3A_4, %dma_wait3A] : memref<176x128xf32, #tpu.memory_space<hbm>> -> memref<8x128xf32, #tpu.memory_space<hbm>>
        %dma_wait3A_18 = arith.constant 0 : i32
        %dma_wait3A_19 = tpu.memref_slice %arg5[%mul3A_4, %dma_wait3A_18] : memref<176x128xf32, #tpu.memory_space<hbm>> -> memref<8x128xf32, #tpu.memory_space<hbm>>
        tpu.wait_dma2 semaphore(%run_scoped3A : memref<!tpu.dma_semaphore, #tpu.memory_space<semaphore_mem>>) src(%dma_wait3A_19 : memref<8x128xf32, #tpu.memory_space<hbm>>) dst(%arg16 : memref<8x128xf32, #tpu.memory_space<vmem>>)
        tpu.yield
      }) : () -> ()
      "tpu.region"() ({
        %run_scoped3A = tpu.sem_alloc : memref<!tpu.dma_semaphore, #tpu.memory_space<semaphore_mem>>
        %dma_start3A = arith.constant 0 : i32
        %dma_start3A_14 = tpu.memref_slice %arg6[%mul3A_4, %dma_start3A] : memref<176x128xf32, #tpu.memory_space<hbm>> -> memref<8x128xf32, #tpu.memory_space<hbm>>
        %dma_start3A_15 = arith.constant 0 : i32
        %dma_start3A_16 = tpu.memref_slice %arg6[%mul3A_4, %dma_start3A_15] : memref<176x128xf32, #tpu.memory_space<hbm>> -> memref<8x128xf32, #tpu.memory_space<hbm>>
        tpu.enqueue_dma source(%dma_start3A_16 : memref<8x128xf32, #tpu.memory_space<hbm>>) target(%arg17 : memref<8x128xf32, #tpu.memory_space<vmem>>) target_semaphore(%run_scoped3A : memref<!tpu.dma_semaphore, #tpu.memory_space<semaphore_mem>>)
        %dma_wait3A = arith.constant 0 : i32
        %dma_wait3A_17 = tpu.memref_slice %arg6[%mul3A_4, %dma_wait3A] : memref<176x128xf32, #tpu.memory_space<hbm>> -> memref<8x128xf32, #tpu.memory_space<hbm>>
        %dma_wait3A_18 = arith.constant 0 : i32
        %dma_wait3A_19 = tpu.memref_slice %arg6[%mul3A_4, %dma_wait3A_18] : memref<176x128xf32, #tpu.memory_space<hbm>> -> memref<8x128xf32, #tpu.memory_space<hbm>>
        tpu.wait_dma2 semaphore(%run_scoped3A : memref<!tpu.dma_semaphore, #tpu.memory_space<semaphore_mem>>) src(%dma_wait3A_19 : memref<8x128xf32, #tpu.memory_space<hbm>>) dst(%arg17 : memref<8x128xf32, #tpu.memory_space<vmem>>)
        tpu.yield
      }) : () -> ()
      "tpu.region"() ({
        %run_scoped3A = tpu.sem_alloc : memref<!tpu.dma_semaphore, #tpu.memory_space<semaphore_mem>>
        %dma_start3A = arith.constant 0 : i32
        %dma_start3A_14 = tpu.memref_slice %arg7[%mul3A_4, %dma_start3A] : memref<176x128xi32, #tpu.memory_space<hbm>> -> memref<8x128xi32, #tpu.memory_space<hbm>>
        %dma_start3A_15 = arith.constant 0 : i32
        %dma_start3A_16 = tpu.memref_slice %arg7[%mul3A_4, %dma_start3A_15] : memref<176x128xi32, #tpu.memory_space<hbm>> -> memref<8x128xi32, #tpu.memory_space<hbm>>
        tpu.enqueue_dma source(%dma_start3A_16 : memref<8x128xi32, #tpu.memory_space<hbm>>) target(%arg18 : memref<8x128xi32, #tpu.memory_space<vmem>>) target_semaphore(%run_scoped3A : memref<!tpu.dma_semaphore, #tpu.memory_space<semaphore_mem>>)
        %dma_wait3A = arith.constant 0 : i32
        %dma_wait3A_17 = tpu.memref_slice %arg7[%mul3A_4, %dma_wait3A] : memref<176x128xi32, #tpu.memory_space<hbm>> -> memref<8x128xi32, #tpu.memory_space<hbm>>
        %dma_wait3A_18 = arith.constant 0 : i32
        %dma_wait3A_19 = tpu.memref_slice %arg7[%mul3A_4, %dma_wait3A_18] : memref<176x128xi32, #tpu.memory_space<hbm>> -> memref<8x128xi32, #tpu.memory_space<hbm>>
        tpu.wait_dma2 semaphore(%run_scoped3A : memref<!tpu.dma_semaphore, #tpu.memory_space<semaphore_mem>>) src(%dma_wait3A_19 : memref<8x128xi32, #tpu.memory_space<hbm>>) dst(%arg18 : memref<8x128xi32, #tpu.memory_space<vmem>>)
        tpu.yield
      }) : () -> ()
      %scan3A = arith.constant 0 : i32
      %scan3A_5 = arith.constant 8 : i32
      %scan3A_6 = arith.addi %scan3A, %scan3A_5 : i32
      %scan3A_7 = arith.constant 1 : i32
      scf.for %scan3A_14 = %scan3A to %scan3A_6 step %scan3A_7  : i32 {
        %mul3A_15 = arith.constant 1 : i32
        %mul3A_16 = arith.muli %scan3A_14, %mul3A_15 : i32
        %add3A_17 = arith.constant 0 : i32
        %add3A_18 = arith.addi %add3A_17, %mul3A_16 : i32
        %dma_start3A = arith.constant 0 : i32
        %dma_start3A_19 = tpu.memref_slice %arg13[%add3A_18, %dma_start3A] : memref<8x128xf32, #tpu.memory_space<vmem>> -> memref<1x128xf32, #tpu.memory_space<vmem>>
        %dma_start3A_20 = tpu.memref_squeeze %dma_start3A_19 : memref<1x128xf32, #tpu.memory_space<vmem>> -> memref<128xf32, #tpu.memory_space<vmem>>
        %dma_start3A_21 = arith.constant 0 : i32
        %dma_start3A_22 = tpu.memref_slice %arg18[%add3A_18, %dma_start3A_21] : memref<8x128xi32, #tpu.memory_space<vmem>> -> memref<1x128xi32, #tpu.memory_space<vmem>>
        %dma_start3A_23 = tpu.memref_squeeze %dma_start3A_22 : memref<1x128xi32, #tpu.memory_space<vmem>> -> memref<128xi32, #tpu.memory_space<vmem>>
        %dma_start3A_24 = arith.constant 0 : i32
        %dma_start3A_25 = tpu.memref_slice %arg8[%dma_start3A_24] : memref<28672xf32, #tpu.memory_space<hbm>> -> memref<28672xf32, #tpu.memory_space<hbm>>
        tpu.enqueue_indirect_dma source(%dma_start3A_20 : memref<128xf32, #tpu.memory_space<vmem>>) target(%dma_start3A_25 : memref<28672xf32, #tpu.memory_space<hbm>>) offsets(%dma_start3A_23 : memref<128xi32, #tpu.memory_space<vmem>>) semaphore(%arg19 : memref<!tpu.dma_semaphore, #tpu.memory_space<semaphore_mem>>)
        %dma_start3A_26 = arith.constant 0 : i32
        %dma_start3A_27 = tpu.memref_slice %arg14[%add3A_18, %dma_start3A_26] : memref<8x128xf32, #tpu.memory_space<vmem>> -> memref<1x128xf32, #tpu.memory_space<vmem>>
        %dma_start3A_28 = tpu.memref_squeeze %dma_start3A_27 : memref<1x128xf32, #tpu.memory_space<vmem>> -> memref<128xf32, #tpu.memory_space<vmem>>
        %dma_start3A_29 = arith.constant 0 : i32
        %dma_start3A_30 = tpu.memref_slice %arg18[%add3A_18, %dma_start3A_29] : memref<8x128xi32, #tpu.memory_space<vmem>> -> memref<1x128xi32, #tpu.memory_space<vmem>>
        %dma_start3A_31 = tpu.memref_squeeze %dma_start3A_30 : memref<1x128xi32, #tpu.memory_space<vmem>> -> memref<128xi32, #tpu.memory_space<vmem>>
        %dma_start3A_32 = arith.constant 0 : i32
        %dma_start3A_33 = tpu.memref_slice %arg9[%dma_start3A_32] : memref<28672xf32, #tpu.memory_space<hbm>> -> memref<28672xf32, #tpu.memory_space<hbm>>
        tpu.enqueue_indirect_dma source(%dma_start3A_28 : memref<128xf32, #tpu.memory_space<vmem>>) target(%dma_start3A_33 : memref<28672xf32, #tpu.memory_space<hbm>>) offsets(%dma_start3A_31 : memref<128xi32, #tpu.memory_space<vmem>>) semaphore(%arg19 : memref<!tpu.dma_semaphore, #tpu.memory_space<semaphore_mem>>)
        %dma_start3A_34 = arith.constant 0 : i32
        %dma_start3A_35 = tpu.memref_slice %arg15[%add3A_18, %dma_start3A_34] : memref<8x128xf32, #tpu.memory_space<vmem>> -> memref<1x128xf32, #tpu.memory_space<vmem>>
        %dma_start3A_36 = tpu.memref_squeeze %dma_start3A_35 : memref<1x128xf32, #tpu.memory_space<vmem>> -> memref<128xf32, #tpu.memory_space<vmem>>
        %dma_start3A_37 = arith.constant 0 : i32
        %dma_start3A_38 = tpu.memref_slice %arg18[%add3A_18, %dma_start3A_37] : memref<8x128xi32, #tpu.memory_space<vmem>> -> memref<1x128xi32, #tpu.memory_space<vmem>>
        %dma_start3A_39 = tpu.memref_squeeze %dma_start3A_38 : memref<1x128xi32, #tpu.memory_space<vmem>> -> memref<128xi32, #tpu.memory_space<vmem>>
        %dma_start3A_40 = arith.constant 0 : i32
        %dma_start3A_41 = tpu.memref_slice %arg10[%dma_start3A_40] : memref<28672xf32, #tpu.memory_space<hbm>> -> memref<28672xf32, #tpu.memory_space<hbm>>
        tpu.enqueue_indirect_dma source(%dma_start3A_36 : memref<128xf32, #tpu.memory_space<vmem>>) target(%dma_start3A_41 : memref<28672xf32, #tpu.memory_space<hbm>>) offsets(%dma_start3A_39 : memref<128xi32, #tpu.memory_space<vmem>>) semaphore(%arg19 : memref<!tpu.dma_semaphore, #tpu.memory_space<semaphore_mem>>)
        %dma_start3A_42 = arith.constant 0 : i32
        %dma_start3A_43 = tpu.memref_slice %arg16[%add3A_18, %dma_start3A_42] : memref<8x128xf32, #tpu.memory_space<vmem>> -> memref<1x128xf32, #tpu.memory_space<vmem>>
        %dma_start3A_44 = tpu.memref_squeeze %dma_start3A_43 : memref<1x128xf32, #tpu.memory_space<vmem>> -> memref<128xf32, #tpu.memory_space<vmem>>
        %dma_start3A_45 = arith.constant 0 : i32
        %dma_start3A_46 = tpu.memref_slice %arg18[%add3A_18, %dma_start3A_45] : memref<8x128xi32, #tpu.memory_space<vmem>> -> memref<1x128xi32, #tpu.memory_space<vmem>>
        %dma_start3A_47 = tpu.memref_squeeze %dma_start3A_46 : memref<1x128xi32, #tpu.memory_space<vmem>> -> memref<128xi32, #tpu.memory_space<vmem>>
        %dma_start3A_48 = arith.constant 0 : i32
        %dma_start3A_49 = tpu.memref_slice %arg11[%dma_start3A_48] : memref<28672xf32, #tpu.memory_space<hbm>> -> memref<28672xf32, #tpu.memory_space<hbm>>
        tpu.enqueue_indirect_dma source(%dma_start3A_44 : memref<128xf32, #tpu.memory_space<vmem>>) target(%dma_start3A_49 : memref<28672xf32, #tpu.memory_space<hbm>>) offsets(%dma_start3A_47 : memref<128xi32, #tpu.memory_space<vmem>>) semaphore(%arg19 : memref<!tpu.dma_semaphore, #tpu.memory_space<semaphore_mem>>)
        %dma_start3A_50 = arith.constant 0 : i32
        %dma_start3A_51 = tpu.memref_slice %arg17[%add3A_18, %dma_start3A_50] : memref<8x128xf32, #tpu.memory_space<vmem>> -> memref<1x128xf32, #tpu.memory_space<vmem>>
        %dma_start3A_52 = tpu.memref_squeeze %dma_start3A_51 : memref<1x128xf32, #tpu.memory_space<vmem>> -> memref<128xf32, #tpu.memory_space<vmem>>
        %dma_start3A_53 = arith.constant 0 : i32
        %dma_start3A_54 = tpu.memref_slice %arg18[%add3A_18, %dma_start3A_53] : memref<8x128xi32, #tpu.memory_space<vmem>> -> memref<1x128xi32, #tpu.memory_space<vmem>>
        %dma_start3A_55 = tpu.memref_squeeze %dma_start3A_54 : memref<1x128xi32, #tpu.memory_space<vmem>> -> memref<128xi32, #tpu.memory_space<vmem>>
        %dma_start3A_56 = arith.constant 0 : i32
        %dma_start3A_57 = tpu.memref_slice %arg12[%dma_start3A_56] : memref<28672xf32, #tpu.memory_space<hbm>> -> memref<28672xf32, #tpu.memory_space<hbm>>
        tpu.enqueue_indirect_dma source(%dma_start3A_52 : memref<128xf32, #tpu.memory_space<vmem>>) target(%dma_start3A_57 : memref<28672xf32, #tpu.memory_space<hbm>>) offsets(%dma_start3A_55 : memref<128xi32, #tpu.memory_space<vmem>>) semaphore(%arg19 : memref<!tpu.dma_semaphore, #tpu.memory_space<semaphore_mem>>)
      }
      %scan3A_8 = arith.constant 8 : i32
      %scan3A_9 = arith.constant 0 : i32
      %scan3A_10 = arith.constant 8 : i32
      %scan3A_11 = arith.addi %scan3A_9, %scan3A_10 : i32
      %scan3A_12 = arith.constant 1 : i32
      scf.for %scan3A_14 = %scan3A_9 to %scan3A_11 step %scan3A_12  : i32 {
        %mul3A_15 = arith.constant 1 : i32
        %mul3A_16 = arith.muli %scan3A_14, %mul3A_15 : i32
        %add3A_17 = arith.constant 0 : i32
        %add3A_18 = arith.addi %add3A_17, %mul3A_16 : i32
        %dma_wait3A = arith.constant 0 : i32
        %dma_wait3A_19 = tpu.memref_slice %arg13[%add3A_18, %dma_wait3A] : memref<8x128xf32, #tpu.memory_space<vmem>> -> memref<1x128xf32, #tpu.memory_space<vmem>>
        %dma_wait3A_20 = tpu.memref_squeeze %dma_wait3A_19 : memref<1x128xf32, #tpu.memory_space<vmem>> -> memref<128xf32, #tpu.memory_space<vmem>>
        %dma_wait3A_21 = arith.constant 0 : i32
        %dma_wait3A_22 = tpu.memref_slice %arg18[%add3A_18, %dma_wait3A_21] : memref<8x128xi32, #tpu.memory_space<vmem>> -> memref<1x128xi32, #tpu.memory_space<vmem>>
        %dma_wait3A_23 = tpu.memref_squeeze %dma_wait3A_22 : memref<1x128xi32, #tpu.memory_space<vmem>> -> memref<128xi32, #tpu.memory_space<vmem>>
        %dma_wait3A_24 = arith.constant 0 : i32
        %dma_wait3A_25 = tpu.memref_slice %arg8[%dma_wait3A_24] : memref<28672xf32, #tpu.memory_space<hbm>> -> memref<28672xf32, #tpu.memory_space<hbm>>
        tpu.wait_indirect_dma semaphore(%arg19 : memref<!tpu.dma_semaphore, #tpu.memory_space<semaphore_mem>>) src(%dma_wait3A_20 : memref<128xf32, #tpu.memory_space<vmem>>) dst(%dma_wait3A_25 : memref<28672xf32, #tpu.memory_space<hbm>>)
        %dma_wait3A_26 = arith.constant 0 : i32
        %dma_wait3A_27 = tpu.memref_slice %arg14[%add3A_18, %dma_wait3A_26] : memref<8x128xf32, #tpu.memory_space<vmem>> -> memref<1x128xf32, #tpu.memory_space<vmem>>
        %dma_wait3A_28 = tpu.memref_squeeze %dma_wait3A_27 : memref<1x128xf32, #tpu.memory_space<vmem>> -> memref<128xf32, #tpu.memory_space<vmem>>
        %dma_wait3A_29 = arith.constant 0 : i32
        %dma_wait3A_30 = tpu.memref_slice %arg18[%add3A_18, %dma_wait3A_29] : memref<8x128xi32, #tpu.memory_space<vmem>> -> memref<1x128xi32, #tpu.memory_space<vmem>>
        %dma_wait3A_31 = tpu.memref_squeeze %dma_wait3A_30 : memref<1x128xi32, #tpu.memory_space<vmem>> -> memref<128xi32, #tpu.memory_space<vmem>>
        %dma_wait3A_32 = arith.constant 0 : i32
        %dma_wait3A_33 = tpu.memref_slice %arg9[%dma_wait3A_32] : memref<28672xf32, #tpu.memory_space<hbm>> -> memref<28672xf32, #tpu.memory_space<hbm>>
        tpu.wait_indirect_dma semaphore(%arg19 : memref<!tpu.dma_semaphore, #tpu.memory_space<semaphore_mem>>) src(%dma_wait3A_28 : memref<128xf32, #tpu.memory_space<vmem>>) dst(%dma_wait3A_33 : memref<28672xf32, #tpu.memory_space<hbm>>)
        %dma_wait3A_34 = arith.constant 0 : i32
        %dma_wait3A_35 = tpu.memref_slice %arg15[%add3A_18, %dma_wait3A_34] : memref<8x128xf32, #tpu.memory_space<vmem>> -> memref<1x128xf32, #tpu.memory_space<vmem>>
        %dma_wait3A_36 = tpu.memref_squeeze %dma_wait3A_35 : memref<1x128xf32, #tpu.memory_space<vmem>> -> memref<128xf32, #tpu.memory_space<vmem>>
        %dma_wait3A_37 = arith.constant 0 : i32
        %dma_wait3A_38 = tpu.memref_slice %arg18[%add3A_18, %dma_wait3A_37] : memref<8x128xi32, #tpu.memory_space<vmem>> -> memref<1x128xi32, #tpu.memory_space<vmem>>
        %dma_wait3A_39 = tpu.memref_squeeze %dma_wait3A_38 : memref<1x128xi32, #tpu.memory_space<vmem>> -> memref<128xi32, #tpu.memory_space<vmem>>
        %dma_wait3A_40 = arith.constant 0 : i32
        %dma_wait3A_41 = tpu.memref_slice %arg10[%dma_wait3A_40] : memref<28672xf32, #tpu.memory_space<hbm>> -> memref<28672xf32, #tpu.memory_space<hbm>>
        tpu.wait_indirect_dma semaphore(%arg19 : memref<!tpu.dma_semaphore, #tpu.memory_space<semaphore_mem>>) src(%dma_wait3A_36 : memref<128xf32, #tpu.memory_space<vmem>>) dst(%dma_wait3A_41 : memref<28672xf32, #tpu.memory_space<hbm>>)
        %dma_wait3A_42 = arith.constant 0 : i32
        %dma_wait3A_43 = tpu.memref_slice %arg16[%add3A_18, %dma_wait3A_42] : memref<8x128xf32, #tpu.memory_space<vmem>> -> memref<1x128xf32, #tpu.memory_space<vmem>>
        %dma_wait3A_44 = tpu.memref_squeeze %dma_wait3A_43 : memref<1x128xf32, #tpu.memory_space<vmem>> -> memref<128xf32, #tpu.memory_space<vmem>>
        %dma_wait3A_45 = arith.constant 0 : i32
        %dma_wait3A_46 = tpu.memref_slice %arg18[%add3A_18, %dma_wait3A_45] : memref<8x128xi32, #tpu.memory_space<vmem>> -> memref<1x128xi32, #tpu.memory_space<vmem>>
        %dma_wait3A_47 = tpu.memref_squeeze %dma_wait3A_46 : memref<1x128xi32, #tpu.memory_space<vmem>> -> memref<128xi32, #tpu.memory_space<vmem>>
        %dma_wait3A_48 = arith.constant 0 : i32
        %dma_wait3A_49 = tpu.memref_slice %arg11[%dma_wait3A_48] : memref<28672xf32, #tpu.memory_space<hbm>> -> memref<28672xf32, #tpu.memory_space<hbm>>
        tpu.wait_indirect_dma semaphore(%arg19 : memref<!tpu.dma_semaphore, #tpu.memory_space<semaphore_mem>>) src(%dma_wait3A_44 : memref<128xf32, #tpu.memory_space<vmem>>) dst(%dma_wait3A_49 : memref<28672xf32, #tpu.memory_space<hbm>>)
        %dma_wait3A_50 = arith.constant 0 : i32
        %dma_wait3A_51 = tpu.memref_slice %arg17[%add3A_18, %dma_wait3A_50] : memref<8x128xf32, #tpu.memory_space<vmem>> -> memref<1x128xf32, #tpu.memory_space<vmem>>
        %dma_wait3A_52 = tpu.memref_squeeze %dma_wait3A_51 : memref<1x128xf32, #tpu.memory_space<vmem>> -> memref<128xf32, #tpu.memory_space<vmem>>
        %dma_wait3A_53 = arith.constant 0 : i32
        %dma_wait3A_54 = tpu.memref_slice %arg18[%add3A_18, %dma_wait3A_53] : memref<8x128xi32, #tpu.memory_space<vmem>> -> memref<1x128xi32, #tpu.memory_space<vmem>>
        %dma_wait3A_55 = tpu.memref_squeeze %dma_wait3A_54 : memref<1x128xi32, #tpu.memory_space<vmem>> -> memref<128xi32, #tpu.memory_space<vmem>>
        %dma_wait3A_56 = arith.constant 0 : i32
        %dma_wait3A_57 = tpu.memref_slice %arg12[%dma_wait3A_56] : memref<28672xf32, #tpu.memory_space<hbm>> -> memref<28672xf32, #tpu.memory_space<hbm>>
        tpu.wait_indirect_dma semaphore(%arg19 : memref<!tpu.dma_semaphore, #tpu.memory_space<semaphore_mem>>) src(%dma_wait3A_52 : memref<128xf32, #tpu.memory_space<vmem>>) dst(%dma_wait3A_57 : memref<28672xf32, #tpu.memory_space<hbm>>)
      }
      %scan3A_13 = arith.constant 8 : i32
    } else {
    }
    return
  }
}

module attributes {stable_mosaic.version = 14 : i64} {
  func.func @_decode_body(%arg0: memref<3xf32, #tpu.memory_space<smem>>, %arg1: memref<176x128xf32, #tpu.memory_space<vmem>>, %arg2: memref<176x128xf32, #tpu.memory_space<vmem>>, %arg3: memref<176x128xf32, #tpu.memory_space<vmem>>, %arg4: memref<176x128xf32, #tpu.memory_space<vmem>>, %arg5: memref<176x128xf32, #tpu.memory_space<vmem>>, %arg6: memref<176x128xf32, #tpu.memory_space<vmem>>, %arg7: memref<176x128xf32, #tpu.memory_space<vmem>>, %arg8: memref<176x128xf32, #tpu.memory_space<vmem>>, %arg9: memref<176x128xf32, #tpu.memory_space<vmem>>, %arg10: memref<176x128xf32, #tpu.memory_space<vmem>>, %arg11: memref<176x128xi32, #tpu.memory_space<vmem>>) attributes {dimension_semantics = [], scalar_prefetch = 0 : i64, scratch_operands = 0 : i64, tpu.core_type = #tpu.core_type<tc>} {
    %get3A = arith.constant 0 : index
    %get3A_0 = memref.load %arg0[%get3A] : memref<3xf32, #tpu.memory_space<smem>>
    %get3A_1 = arith.constant 1 : index
    %get3A_2 = memref.load %arg0[%get3A_1] : memref<3xf32, #tpu.memory_space<smem>>
    %get3A_3 = arith.constant 2 : index
    %get3A_4 = memref.load %arg0[%get3A_3] : memref<3xf32, #tpu.memory_space<smem>>
    %iota3A = tpu.iota {dimensions = array<i32: 0>} : vector<176x128xi32>
    %iota3A_5 = tpu.iota {dimensions = array<i32: 1>} : vector<176x128xi32>
    %mul3A = arith.constant 128 : i32
    %mul3A_6 = vector.broadcast %mul3A : i32 to vector<176x128xi32>
    %mul3A_7 = arith.muli %iota3A, %mul3A_6 : vector<176x128xi32>
    %add3A = arith.addi %mul3A_7, %iota3A_5 : vector<176x128xi32>
    %jit3A = arith.constant 9 : i32
    %div3A = vector.broadcast %jit3A : i32 to vector<176x128xi32>
    %div3A_8 = arith.divsi %add3A, %div3A : vector<176x128xi32>
    %sign3A = arith.constant 0 : i32
    %sign3A_9 = vector.broadcast %sign3A : i32 to vector<176x128xi32>
    %sign3A_10 = arith.cmpi sgt, %add3A, %sign3A_9 : vector<176x128xi32>
    %sign3A_11 = arith.extui %sign3A_10 : vector<176x128xi1> to vector<176x128xi32>
    %sign3A_12 = arith.constant 0 : i32
    %sign3A_13 = vector.broadcast %sign3A_12 : i32 to vector<176x128xi32>
    %sign3A_14 = arith.cmpi slt, %add3A, %sign3A_13 : vector<176x128xi32>
    %sign3A_15 = arith.extui %sign3A_14 : vector<176x128xi1> to vector<176x128xi32>
    %sign3A_16 = arith.subi %sign3A_11, %sign3A_15 : vector<176x128xi32>
    %sign3A_17 = arith.constant 0 : i32
    %sign3A_18 = arith.cmpi sgt, %jit3A, %sign3A_17 : i32
    %sign3A_19 = arith.extui %sign3A_18 : i1 to i32
    %sign3A_20 = arith.constant 0 : i32
    %sign3A_21 = arith.cmpi slt, %jit3A, %sign3A_20 : i32
    %sign3A_22 = arith.extui %sign3A_21 : i1 to i32
    %sign3A_23 = arith.subi %sign3A_19, %sign3A_22 : i32
    %ne3A = vector.broadcast %sign3A_23 : i32 to vector<176x128xi32>
    %ne3A_24 = arith.cmpi ne, %sign3A_16, %ne3A : vector<176x128xi32>
    %rem3A = vector.broadcast %jit3A : i32 to vector<176x128xi32>
    %rem3A_25 = arith.remsi %add3A, %rem3A : vector<176x128xi32>
    %ne3A_26 = arith.constant 0 : i32
    %ne3A_27 = vector.broadcast %ne3A_26 : i32 to vector<176x128xi32>
    %ne3A_28 = arith.cmpi ne, %rem3A_25, %ne3A_27 : vector<176x128xi32>
    %and3A = arith.andi %ne3A_24, %ne3A_28 : vector<176x128xi1>
    %sub3A = arith.constant 1 : i32
    %sub3A_29 = vector.broadcast %sub3A : i32 to vector<176x128xi32>
    %sub3A_30 = arith.subi %div3A_8, %sub3A_29 : vector<176x128xi32>
    %select_n3A = arith.select %and3A, %sub3A_30, %div3A_8 : vector<176x128xi1>, vector<176x128xi32>
    %mul3A_31 = arith.constant 9 : i32
    %mul3A_32 = vector.broadcast %mul3A_31 : i32 to vector<176x128xi32>
    %mul3A_33 = arith.muli %select_n3A, %mul3A_32 : vector<176x128xi32>
    %sub3A_34 = arith.subi %add3A, %mul3A_33 : vector<176x128xi32>
    %jit3A_35 = arith.constant 63 : i32
    %div3A_36 = vector.broadcast %jit3A_35 : i32 to vector<176x128xi32>
    %div3A_37 = arith.divsi %select_n3A, %div3A_36 : vector<176x128xi32>
    %sign3A_38 = arith.constant 0 : i32
    %sign3A_39 = vector.broadcast %sign3A_38 : i32 to vector<176x128xi32>
    %sign3A_40 = arith.cmpi sgt, %select_n3A, %sign3A_39 : vector<176x128xi32>
    %sign3A_41 = arith.extui %sign3A_40 : vector<176x128xi1> to vector<176x128xi32>
    %sign3A_42 = arith.constant 0 : i32
    %sign3A_43 = vector.broadcast %sign3A_42 : i32 to vector<176x128xi32>
    %sign3A_44 = arith.cmpi slt, %select_n3A, %sign3A_43 : vector<176x128xi32>
    %sign3A_45 = arith.extui %sign3A_44 : vector<176x128xi1> to vector<176x128xi32>
    %sign3A_46 = arith.subi %sign3A_41, %sign3A_45 : vector<176x128xi32>
    %sign3A_47 = arith.constant 0 : i32
    %sign3A_48 = arith.cmpi sgt, %jit3A_35, %sign3A_47 : i32
    %sign3A_49 = arith.extui %sign3A_48 : i1 to i32
    %sign3A_50 = arith.constant 0 : i32
    %sign3A_51 = arith.cmpi slt, %jit3A_35, %sign3A_50 : i32
    %sign3A_52 = arith.extui %sign3A_51 : i1 to i32
    %sign3A_53 = arith.subi %sign3A_49, %sign3A_52 : i32
    %ne3A_54 = vector.broadcast %sign3A_53 : i32 to vector<176x128xi32>
    %ne3A_55 = arith.cmpi ne, %sign3A_46, %ne3A_54 : vector<176x128xi32>
    %rem3A_56 = vector.broadcast %jit3A_35 : i32 to vector<176x128xi32>
    %rem3A_57 = arith.remsi %select_n3A, %rem3A_56 : vector<176x128xi32>
    %ne3A_58 = arith.constant 0 : i32
    %ne3A_59 = vector.broadcast %ne3A_58 : i32 to vector<176x128xi32>
    %ne3A_60 = arith.cmpi ne, %rem3A_57, %ne3A_59 : vector<176x128xi32>
    %and3A_61 = arith.andi %ne3A_55, %ne3A_60 : vector<176x128xi1>
    %sub3A_62 = arith.constant 1 : i32
    %sub3A_63 = vector.broadcast %sub3A_62 : i32 to vector<176x128xi32>
    %sub3A_64 = arith.subi %div3A_37, %sub3A_63 : vector<176x128xi32>
    %select_n3A_65 = arith.select %and3A_61, %sub3A_64, %div3A_37 : vector<176x128xi1>, vector<176x128xi32>
    %mul3A_66 = arith.constant 63 : i32
    %mul3A_67 = vector.broadcast %mul3A_66 : i32 to vector<176x128xi32>
    %mul3A_68 = arith.muli %select_n3A_65, %mul3A_67 : vector<176x128xi32>
    %sub3A_69 = arith.subi %select_n3A, %mul3A_68 : vector<176x128xi32>
    %jit3A_70 = arith.constant 63 : i32
    %div3A_71 = vector.broadcast %jit3A_70 : i32 to vector<176x128xi32>
    %div3A_72 = arith.divsi %select_n3A, %div3A_71 : vector<176x128xi32>
    %sign3A_73 = arith.constant 0 : i32
    %sign3A_74 = vector.broadcast %sign3A_73 : i32 to vector<176x128xi32>
    %sign3A_75 = arith.cmpi sgt, %select_n3A, %sign3A_74 : vector<176x128xi32>
    %sign3A_76 = arith.extui %sign3A_75 : vector<176x128xi1> to vector<176x128xi32>
    %sign3A_77 = arith.constant 0 : i32
    %sign3A_78 = vector.broadcast %sign3A_77 : i32 to vector<176x128xi32>
    %sign3A_79 = arith.cmpi slt, %select_n3A, %sign3A_78 : vector<176x128xi32>
    %sign3A_80 = arith.extui %sign3A_79 : vector<176x128xi1> to vector<176x128xi32>
    %sign3A_81 = arith.subi %sign3A_76, %sign3A_80 : vector<176x128xi32>
    %sign3A_82 = arith.constant 0 : i32
    %sign3A_83 = arith.cmpi sgt, %jit3A_70, %sign3A_82 : i32
    %sign3A_84 = arith.extui %sign3A_83 : i1 to i32
    %sign3A_85 = arith.constant 0 : i32
    %sign3A_86 = arith.cmpi slt, %jit3A_70, %sign3A_85 : i32
    %sign3A_87 = arith.extui %sign3A_86 : i1 to i32
    %sign3A_88 = arith.subi %sign3A_84, %sign3A_87 : i32
    %ne3A_89 = vector.broadcast %sign3A_88 : i32 to vector<176x128xi32>
    %ne3A_90 = arith.cmpi ne, %sign3A_81, %ne3A_89 : vector<176x128xi32>
    %rem3A_91 = vector.broadcast %jit3A_70 : i32 to vector<176x128xi32>
    %rem3A_92 = arith.remsi %select_n3A, %rem3A_91 : vector<176x128xi32>
    %ne3A_93 = arith.constant 0 : i32
    %ne3A_94 = vector.broadcast %ne3A_93 : i32 to vector<176x128xi32>
    %ne3A_95 = arith.cmpi ne, %rem3A_92, %ne3A_94 : vector<176x128xi32>
    %and3A_96 = arith.andi %ne3A_90, %ne3A_95 : vector<176x128xi1>
    %sub3A_97 = arith.constant 1 : i32
    %sub3A_98 = vector.broadcast %sub3A_97 : i32 to vector<176x128xi32>
    %sub3A_99 = arith.subi %div3A_72, %sub3A_98 : vector<176x128xi32>
    %select_n3A_100 = arith.select %and3A_96, %sub3A_99, %div3A_72 : vector<176x128xi1>, vector<176x128xi32>
    %convert_element_type3A = arith.sitofp %sub3A_69 : vector<176x128xi32> to vector<176x128xf32>
    %mul3A_101 = arith.constant 1.600000e+01 : f32
    %mul3A_102 = vector.broadcast %mul3A_101 : f32 to vector<176x128xf32>
    %mul3A_103 = arith.mulf %convert_element_type3A, %mul3A_102 : vector<176x128xf32>
    %convert_element_type3A_104 = arith.sitofp %select_n3A_100 : vector<176x128xi32> to vector<176x128xf32>
    %mul3A_105 = arith.constant 1.600000e+01 : f32
    %mul3A_106 = vector.broadcast %mul3A_105 : f32 to vector<176x128xf32>
    %mul3A_107 = arith.mulf %convert_element_type3A_104, %mul3A_106 : vector<176x128xf32>
    %broadcast_in_dim3A = arith.constant -8.400000e+01 : f32
    %broadcast_in_dim3A_108 = vector.broadcast %broadcast_in_dim3A : f32 to vector<176x128xf32>
    %eq3A = arith.constant 1 : i32
    %eq3A_109 = vector.broadcast %eq3A : i32 to vector<176x128xi32>
    %eq3A_110 = arith.cmpi eq, %sub3A_34, %eq3A_109 : vector<176x128xi32>
    %jit3A_111 = arith.constant -1.760000e+02 : f32
    %broadcast_in_dim3A_112 = vector.broadcast %jit3A_111 : f32 to vector<176x128xf32>
    %select_n3A_113 = arith.select %eq3A_110, %broadcast_in_dim3A_112, %broadcast_in_dim3A_108 : vector<176x128xi1>, vector<176x128xf32>
    %eq3A_114 = arith.constant 2 : i32
    %eq3A_115 = vector.broadcast %eq3A_114 : i32 to vector<176x128xi32>
    %eq3A_116 = arith.cmpi eq, %sub3A_34, %eq3A_115 : vector<176x128xi32>
    %jit3A_117 = arith.constant -3.600000e+02 : f32
    %broadcast_in_dim3A_118 = vector.broadcast %jit3A_117 : f32 to vector<176x128xf32>
    %select_n3A_119 = arith.select %eq3A_116, %broadcast_in_dim3A_118, %select_n3A_113 : vector<176x128xi1>, vector<176x128xf32>
    %eq3A_120 = arith.constant 3 : i32
    %eq3A_121 = vector.broadcast %eq3A_120 : i32 to vector<176x128xi32>
    %eq3A_122 = arith.cmpi eq, %sub3A_34, %eq3A_121 : vector<176x128xi32>
    %jit3A_123 = arith.constant -5.600000e+01 : f32
    %broadcast_in_dim3A_124 = vector.broadcast %jit3A_123 : f32 to vector<176x128xf32>
    %select_n3A_125 = arith.select %eq3A_122, %broadcast_in_dim3A_124, %select_n3A_119 : vector<176x128xi1>, vector<176x128xf32>
    %eq3A_126 = arith.constant 4 : i32
    %eq3A_127 = vector.broadcast %eq3A_126 : i32 to vector<176x128xi32>
    %eq3A_128 = arith.cmpi eq, %sub3A_34, %eq3A_127 : vector<176x128xi32>
    %jit3A_129 = arith.constant -1.200000e+02 : f32
    %broadcast_in_dim3A_130 = vector.broadcast %jit3A_129 : f32 to vector<176x128xf32>
    %select_n3A_131 = arith.select %eq3A_128, %broadcast_in_dim3A_130, %select_n3A_125 : vector<176x128xi1>, vector<176x128xf32>
    %eq3A_132 = arith.constant 5 : i32
    %eq3A_133 = vector.broadcast %eq3A_132 : i32 to vector<176x128xi32>
    %eq3A_134 = arith.cmpi eq, %sub3A_34, %eq3A_133 : vector<176x128xi32>
    %jit3A_135 = arith.constant -2.480000e+02 : f32
    %broadcast_in_dim3A_136 = vector.broadcast %jit3A_135 : f32 to vector<176x128xf32>
    %select_n3A_137 = arith.select %eq3A_134, %broadcast_in_dim3A_136, %select_n3A_131 : vector<176x128xi1>, vector<176x128xf32>
    %eq3A_138 = arith.constant 6 : i32
    %eq3A_139 = vector.broadcast %eq3A_138 : i32 to vector<176x128xi32>
    %eq3A_140 = arith.cmpi eq, %sub3A_34, %eq3A_139 : vector<176x128xi32>
    %jit3A_141 = arith.constant -3.600000e+01 : f32
    %broadcast_in_dim3A_142 = vector.broadcast %jit3A_141 : f32 to vector<176x128xf32>
    %select_n3A_143 = arith.select %eq3A_140, %broadcast_in_dim3A_142, %select_n3A_137 : vector<176x128xi1>, vector<176x128xf32>
    %eq3A_144 = arith.constant 7 : i32
    %eq3A_145 = vector.broadcast %eq3A_144 : i32 to vector<176x128xi32>
    %eq3A_146 = arith.cmpi eq, %sub3A_34, %eq3A_145 : vector<176x128xi32>
    %jit3A_147 = arith.constant -8.000000e+01 : f32
    %broadcast_in_dim3A_148 = vector.broadcast %jit3A_147 : f32 to vector<176x128xf32>
    %select_n3A_149 = arith.select %eq3A_146, %broadcast_in_dim3A_148, %select_n3A_143 : vector<176x128xi1>, vector<176x128xf32>
    %eq3A_150 = arith.constant 8 : i32
    %eq3A_151 = vector.broadcast %eq3A_150 : i32 to vector<176x128xi32>
    %eq3A_152 = arith.cmpi eq, %sub3A_34, %eq3A_151 : vector<176x128xi32>
    %jit3A_153 = arith.constant -1.680000e+02 : f32
    %broadcast_in_dim3A_154 = vector.broadcast %jit3A_153 : f32 to vector<176x128xf32>
    %select_n3A_155 = arith.select %eq3A_152, %broadcast_in_dim3A_154, %select_n3A_149 : vector<176x128xi1>, vector<176x128xf32>
    %add3A_156 = arith.addf %select_n3A_155, %mul3A_103 : vector<176x128xf32>
    %broadcast_in_dim3A_157 = arith.constant -4.000000e+01 : f32
    %broadcast_in_dim3A_158 = vector.broadcast %broadcast_in_dim3A_157 : f32 to vector<176x128xf32>
    %eq3A_159 = arith.constant 1 : i32
    %eq3A_160 = vector.broadcast %eq3A_159 : i32 to vector<176x128xi32>
    %eq3A_161 = arith.cmpi eq, %sub3A_34, %eq3A_160 : vector<176x128xi32>
    %jit3A_162 = arith.constant -8.800000e+01 : f32
    %broadcast_in_dim3A_163 = vector.broadcast %jit3A_162 : f32 to vector<176x128xf32>
    %select_n3A_164 = arith.select %eq3A_161, %broadcast_in_dim3A_163, %broadcast_in_dim3A_158 : vector<176x128xi1>, vector<176x128xf32>
    %eq3A_165 = arith.constant 2 : i32
    %eq3A_166 = vector.broadcast %eq3A_165 : i32 to vector<176x128xi32>
    %eq3A_167 = arith.cmpi eq, %sub3A_34, %eq3A_166 : vector<176x128xi32>
    %jit3A_168 = arith.constant -1.840000e+02 : f32
    %broadcast_in_dim3A_169 = vector.broadcast %jit3A_168 : f32 to vector<176x128xf32>
    %select_n3A_170 = arith.select %eq3A_167, %broadcast_in_dim3A_169, %select_n3A_164 : vector<176x128xi1>, vector<176x128xf32>
    %eq3A_171 = arith.constant 3 : i32
    %eq3A_172 = vector.broadcast %eq3A_171 : i32 to vector<176x128xi32>
    %eq3A_173 = arith.cmpi eq, %sub3A_34, %eq3A_172 : vector<176x128xi32>
    %jit3A_174 = arith.constant -5.600000e+01 : f32
    %broadcast_in_dim3A_175 = vector.broadcast %jit3A_174 : f32 to vector<176x128xf32>
    %select_n3A_176 = arith.select %eq3A_173, %broadcast_in_dim3A_175, %select_n3A_170 : vector<176x128xi1>, vector<176x128xf32>
    %eq3A_177 = arith.constant 4 : i32
    %eq3A_178 = vector.broadcast %eq3A_177 : i32 to vector<176x128xi32>
    %eq3A_179 = arith.cmpi eq, %sub3A_34, %eq3A_178 : vector<176x128xi32>
    %jit3A_180 = arith.constant -1.200000e+02 : f32
    %broadcast_in_dim3A_181 = vector.broadcast %jit3A_180 : f32 to vector<176x128xf32>
    %select_n3A_182 = arith.select %eq3A_179, %broadcast_in_dim3A_181, %select_n3A_176 : vector<176x128xi1>, vector<176x128xf32>
    %eq3A_183 = arith.constant 5 : i32
    %eq3A_184 = vector.broadcast %eq3A_183 : i32 to vector<176x128xi32>
    %eq3A_185 = arith.cmpi eq, %sub3A_34, %eq3A_184 : vector<176x128xi32>
    %jit3A_186 = arith.constant -2.480000e+02 : f32
    %broadcast_in_dim3A_187 = vector.broadcast %jit3A_186 : f32 to vector<176x128xf32>
    %select_n3A_188 = arith.select %eq3A_185, %broadcast_in_dim3A_187, %select_n3A_182 : vector<176x128xi1>, vector<176x128xf32>
    %eq3A_189 = arith.constant 6 : i32
    %eq3A_190 = vector.broadcast %eq3A_189 : i32 to vector<176x128xi32>
    %eq3A_191 = arith.cmpi eq, %sub3A_34, %eq3A_190 : vector<176x128xi32>
    %jit3A_192 = arith.constant -8.000000e+01 : f32
    %broadcast_in_dim3A_193 = vector.broadcast %jit3A_192 : f32 to vector<176x128xf32>
    %select_n3A_194 = arith.select %eq3A_191, %broadcast_in_dim3A_193, %select_n3A_188 : vector<176x128xi1>, vector<176x128xf32>
    %eq3A_195 = arith.constant 7 : i32
    %eq3A_196 = vector.broadcast %eq3A_195 : i32 to vector<176x128xi32>
    %eq3A_197 = arith.cmpi eq, %sub3A_34, %eq3A_196 : vector<176x128xi32>
    %jit3A_198 = arith.constant -1.680000e+02 : f32
    %broadcast_in_dim3A_199 = vector.broadcast %jit3A_198 : f32 to vector<176x128xf32>
    %select_n3A_200 = arith.select %eq3A_197, %broadcast_in_dim3A_199, %select_n3A_194 : vector<176x128xi1>, vector<176x128xf32>
    %eq3A_201 = arith.constant 8 : i32
    %eq3A_202 = vector.broadcast %eq3A_201 : i32 to vector<176x128xi32>
    %eq3A_203 = arith.cmpi eq, %sub3A_34, %eq3A_202 : vector<176x128xi32>
    %jit3A_204 = arith.constant -3.440000e+02 : f32
    %broadcast_in_dim3A_205 = vector.broadcast %jit3A_204 : f32 to vector<176x128xf32>
    %select_n3A_206 = arith.select %eq3A_203, %broadcast_in_dim3A_205, %select_n3A_200 : vector<176x128xi1>, vector<176x128xf32>
    %add3A_207 = arith.addf %select_n3A_206, %mul3A_107 : vector<176x128xf32>
    %broadcast_in_dim3A_208 = arith.constant 9.900000e+01 : f32
    %broadcast_in_dim3A_209 = vector.broadcast %broadcast_in_dim3A_208 : f32 to vector<176x128xf32>
    %eq3A_210 = arith.constant 1 : i32
    %eq3A_211 = vector.broadcast %eq3A_210 : i32 to vector<176x128xi32>
    %eq3A_212 = arith.cmpi eq, %sub3A_34, %eq3A_211 : vector<176x128xi32>
    %jit3A_213 = arith.constant 1.910000e+02 : f32
    %broadcast_in_dim3A_214 = vector.broadcast %jit3A_213 : f32 to vector<176x128xf32>
    %select_n3A_215 = arith.select %eq3A_212, %broadcast_in_dim3A_214, %broadcast_in_dim3A_209 : vector<176x128xi1>, vector<176x128xf32>
    %eq3A_216 = arith.constant 2 : i32
    %eq3A_217 = vector.broadcast %eq3A_216 : i32 to vector<176x128xi32>
    %eq3A_218 = arith.cmpi eq, %sub3A_34, %eq3A_217 : vector<176x128xi32>
    %jit3A_219 = arith.constant 3.750000e+02 : f32
    %broadcast_in_dim3A_220 = vector.broadcast %jit3A_219 : f32 to vector<176x128xf32>
    %select_n3A_221 = arith.select %eq3A_218, %broadcast_in_dim3A_220, %select_n3A_215 : vector<176x128xi1>, vector<176x128xf32>
    %eq3A_222 = arith.constant 3 : i32
    %eq3A_223 = vector.broadcast %eq3A_222 : i32 to vector<176x128xi32>
    %eq3A_224 = arith.cmpi eq, %sub3A_34, %eq3A_223 : vector<176x128xi32>
    %jit3A_225 = arith.constant 7.100000e+01 : f32
    %broadcast_in_dim3A_226 = vector.broadcast %jit3A_225 : f32 to vector<176x128xf32>
    %select_n3A_227 = arith.select %eq3A_224, %broadcast_in_dim3A_226, %select_n3A_221 : vector<176x128xi1>, vector<176x128xf32>
    %eq3A_228 = arith.constant 4 : i32
    %eq3A_229 = vector.broadcast %eq3A_228 : i32 to vector<176x128xi32>
    %eq3A_230 = arith.cmpi eq, %sub3A_34, %eq3A_229 : vector<176x128xi32>
    %jit3A_231 = arith.constant 1.350000e+02 : f32
    %broadcast_in_dim3A_232 = vector.broadcast %jit3A_231 : f32 to vector<176x128xf32>
    %select_n3A_233 = arith.select %eq3A_230, %broadcast_in_dim3A_232, %select_n3A_227 : vector<176x128xi1>, vector<176x128xf32>
    %eq3A_234 = arith.constant 5 : i32
    %eq3A_235 = vector.broadcast %eq3A_234 : i32 to vector<176x128xi32>
    %eq3A_236 = arith.cmpi eq, %sub3A_34, %eq3A_235 : vector<176x128xi32>
    %jit3A_237 = arith.constant 2.630000e+02 : f32
    %broadcast_in_dim3A_238 = vector.broadcast %jit3A_237 : f32 to vector<176x128xf32>
    %select_n3A_239 = arith.select %eq3A_236, %broadcast_in_dim3A_238, %select_n3A_233 : vector<176x128xi1>, vector<176x128xf32>
    %eq3A_240 = arith.constant 6 : i32
    %eq3A_241 = vector.broadcast %eq3A_240 : i32 to vector<176x128xi32>
    %eq3A_242 = arith.cmpi eq, %sub3A_34, %eq3A_241 : vector<176x128xi32>
    %jit3A_243 = arith.constant 5.100000e+01 : f32
    %broadcast_in_dim3A_244 = vector.broadcast %jit3A_243 : f32 to vector<176x128xf32>
    %select_n3A_245 = arith.select %eq3A_242, %broadcast_in_dim3A_244, %select_n3A_239 : vector<176x128xi1>, vector<176x128xf32>
    %eq3A_246 = arith.constant 7 : i32
    %eq3A_247 = vector.broadcast %eq3A_246 : i32 to vector<176x128xi32>
    %eq3A_248 = arith.cmpi eq, %sub3A_34, %eq3A_247 : vector<176x128xi32>
    %jit3A_249 = arith.constant 9.500000e+01 : f32
    %broadcast_in_dim3A_250 = vector.broadcast %jit3A_249 : f32 to vector<176x128xf32>
    %select_n3A_251 = arith.select %eq3A_248, %broadcast_in_dim3A_250, %select_n3A_245 : vector<176x128xi1>, vector<176x128xf32>
    %eq3A_252 = arith.constant 8 : i32
    %eq3A_253 = vector.broadcast %eq3A_252 : i32 to vector<176x128xi32>
    %eq3A_254 = arith.cmpi eq, %sub3A_34, %eq3A_253 : vector<176x128xi32>
    %jit3A_255 = arith.constant 1.830000e+02 : f32
    %broadcast_in_dim3A_256 = vector.broadcast %jit3A_255 : f32 to vector<176x128xf32>
    %select_n3A_257 = arith.select %eq3A_254, %broadcast_in_dim3A_256, %select_n3A_251 : vector<176x128xi1>, vector<176x128xf32>
    %add3A_258 = arith.addf %select_n3A_257, %mul3A_103 : vector<176x128xf32>
    %broadcast_in_dim3A_259 = arith.constant 5.500000e+01 : f32
    %broadcast_in_dim3A_260 = vector.broadcast %broadcast_in_dim3A_259 : f32 to vector<176x128xf32>
    %eq3A_261 = arith.constant 1 : i32
    %eq3A_262 = vector.broadcast %eq3A_261 : i32 to vector<176x128xi32>
    %eq3A_263 = arith.cmpi eq, %sub3A_34, %eq3A_262 : vector<176x128xi32>
    %jit3A_264 = arith.constant 1.030000e+02 : f32
    %broadcast_in_dim3A_265 = vector.broadcast %jit3A_264 : f32 to vector<176x128xf32>
    %select_n3A_266 = arith.select %eq3A_263, %broadcast_in_dim3A_265, %broadcast_in_dim3A_260 : vector<176x128xi1>, vector<176x128xf32>
    %eq3A_267 = arith.constant 2 : i32
    %eq3A_268 = vector.broadcast %eq3A_267 : i32 to vector<176x128xi32>
    %eq3A_269 = arith.cmpi eq, %sub3A_34, %eq3A_268 : vector<176x128xi32>
    %jit3A_270 = arith.constant 1.990000e+02 : f32
    %broadcast_in_dim3A_271 = vector.broadcast %jit3A_270 : f32 to vector<176x128xf32>
    %select_n3A_272 = arith.select %eq3A_269, %broadcast_in_dim3A_271, %select_n3A_266 : vector<176x128xi1>, vector<176x128xf32>
    %eq3A_273 = arith.constant 3 : i32
    %eq3A_274 = vector.broadcast %eq3A_273 : i32 to vector<176x128xi32>
    %eq3A_275 = arith.cmpi eq, %sub3A_34, %eq3A_274 : vector<176x128xi32>
    %jit3A_276 = arith.constant 7.100000e+01 : f32
    %broadcast_in_dim3A_277 = vector.broadcast %jit3A_276 : f32 to vector<176x128xf32>
    %select_n3A_278 = arith.select %eq3A_275, %broadcast_in_dim3A_277, %select_n3A_272 : vector<176x128xi1>, vector<176x128xf32>
    %eq3A_279 = arith.constant 4 : i32
    %eq3A_280 = vector.broadcast %eq3A_279 : i32 to vector<176x128xi32>
    %eq3A_281 = arith.cmpi eq, %sub3A_34, %eq3A_280 : vector<176x128xi32>
    %jit3A_282 = arith.constant 1.350000e+02 : f32
    %broadcast_in_dim3A_283 = vector.broadcast %jit3A_282 : f32 to vector<176x128xf32>
    %select_n3A_284 = arith.select %eq3A_281, %broadcast_in_dim3A_283, %select_n3A_278 : vector<176x128xi1>, vector<176x128xf32>
    %eq3A_285 = arith.constant 5 : i32
    %eq3A_286 = vector.broadcast %eq3A_285 : i32 to vector<176x128xi32>
    %eq3A_287 = arith.cmpi eq, %sub3A_34, %eq3A_286 : vector<176x128xi32>
    %jit3A_288 = arith.constant 2.630000e+02 : f32
    %broadcast_in_dim3A_289 = vector.broadcast %jit3A_288 : f32 to vector<176x128xf32>
    %select_n3A_290 = arith.select %eq3A_287, %broadcast_in_dim3A_289, %select_n3A_284 : vector<176x128xi1>, vector<176x128xf32>
    %eq3A_291 = arith.constant 6 : i32
    %eq3A_292 = vector.broadcast %eq3A_291 : i32 to vector<176x128xi32>
    %eq3A_293 = arith.cmpi eq, %sub3A_34, %eq3A_292 : vector<176x128xi32>
    %jit3A_294 = arith.constant 9.500000e+01 : f32
    %broadcast_in_dim3A_295 = vector.broadcast %jit3A_294 : f32 to vector<176x128xf32>
    %select_n3A_296 = arith.select %eq3A_293, %broadcast_in_dim3A_295, %select_n3A_290 : vector<176x128xi1>, vector<176x128xf32>
    %eq3A_297 = arith.constant 7 : i32
    %eq3A_298 = vector.broadcast %eq3A_297 : i32 to vector<176x128xi32>
    %eq3A_299 = arith.cmpi eq, %sub3A_34, %eq3A_298 : vector<176x128xi32>
    %jit3A_300 = arith.constant 1.830000e+02 : f32
    %broadcast_in_dim3A_301 = vector.broadcast %jit3A_300 : f32 to vector<176x128xf32>
    %select_n3A_302 = arith.select %eq3A_299, %broadcast_in_dim3A_301, %select_n3A_296 : vector<176x128xi1>, vector<176x128xf32>
    %eq3A_303 = arith.constant 8 : i32
    %eq3A_304 = vector.broadcast %eq3A_303 : i32 to vector<176x128xi32>
    %eq3A_305 = arith.cmpi eq, %sub3A_34, %eq3A_304 : vector<176x128xi32>
    %jit3A_306 = arith.constant 3.590000e+02 : f32
    %broadcast_in_dim3A_307 = vector.broadcast %jit3A_306 : f32 to vector<176x128xf32>
    %select_n3A_308 = arith.select %eq3A_305, %broadcast_in_dim3A_307, %select_n3A_302 : vector<176x128xi1>, vector<176x128xf32>
    %add3A_309 = arith.addf %select_n3A_308, %mul3A_107 : vector<176x128xf32>
    %sub3A_310 = arith.subf %add3A_258, %add3A_156 : vector<176x128xf32>
    %add3A_311 = arith.constant 1.000000e+00 : f32
    %add3A_312 = vector.broadcast %add3A_311 : f32 to vector<176x128xf32>
    %add3A_313 = arith.addf %sub3A_310, %add3A_312 : vector<176x128xf32>
    %sub3A_314 = arith.subf %add3A_309, %add3A_207 : vector<176x128xf32>
    %add3A_315 = arith.constant 1.000000e+00 : f32
    %add3A_316 = vector.broadcast %add3A_315 : f32 to vector<176x128xf32>
    %add3A_317 = arith.addf %sub3A_314, %add3A_316 : vector<176x128xf32>
    %mul3A_318 = arith.constant 5.000000e-01 : f32
    %mul3A_319 = vector.broadcast %mul3A_318 : f32 to vector<176x128xf32>
    %mul3A_320 = arith.mulf %mul3A_319, %add3A_313 : vector<176x128xf32>
    %add3A_321 = arith.addf %add3A_156, %mul3A_320 : vector<176x128xf32>
    %mul3A_322 = arith.constant 5.000000e-01 : f32
    %mul3A_323 = vector.broadcast %mul3A_322 : f32 to vector<176x128xf32>
    %mul3A_324 = arith.mulf %mul3A_323, %add3A_317 : vector<176x128xf32>
    %add3A_325 = arith.addf %add3A_207, %mul3A_324 : vector<176x128xf32>
    %get3A_326 = arith.constant 0 : index
    %get3A_327 = arith.constant 0 : index
    %get3A_328 = vector.load %arg2[%get3A_326, %get3A_327] : memref<176x128xf32, #tpu.memory_space<vmem>>, vector<176x128xf32>
    %get3A_329 = arith.constant 0 : index
    %get3A_330 = arith.constant 0 : index
    %get3A_331 = vector.load %arg3[%get3A_329, %get3A_330] : memref<176x128xf32, #tpu.memory_space<vmem>>, vector<176x128xf32>
    %get3A_332 = arith.constant 0 : index
    %get3A_333 = arith.constant 0 : index
    %get3A_334 = vector.load %arg4[%get3A_332, %get3A_333] : memref<176x128xf32, #tpu.memory_space<vmem>>, vector<176x128xf32>
    %jit3A_335 = arith.constant -1.000000e+01 : f32
    %jit3A_336 = arith.constant 1.000000e+01 : f32
    %max3A = vector.broadcast %jit3A_335 : f32 to vector<176x128xf32>
    %max3A_337 = arith.maximumf %max3A, %get3A_334 : vector<176x128xf32>
    %min3A = vector.broadcast %jit3A_336 : f32 to vector<176x128xf32>
    %min3A_338 = arith.minimumf %min3A, %max3A_337 : vector<176x128xf32>
    %get3A_339 = arith.constant 0 : index
    %get3A_340 = arith.constant 0 : index
    %get3A_341 = vector.load %arg5[%get3A_339, %get3A_340] : memref<176x128xf32, #tpu.memory_space<vmem>>, vector<176x128xf32>
    %jit3A_342 = arith.constant -1.000000e+01 : f32
    %jit3A_343 = arith.constant 1.000000e+01 : f32
    %max3A_344 = vector.broadcast %jit3A_342 : f32 to vector<176x128xf32>
    %max3A_345 = arith.maximumf %max3A_344, %get3A_341 : vector<176x128xf32>
    %min3A_346 = vector.broadcast %jit3A_343 : f32 to vector<176x128xf32>
    %min3A_347 = arith.minimumf %min3A_346, %max3A_345 : vector<176x128xf32>
    %mul3A_348 = arith.mulf %get3A_328, %add3A_313 : vector<176x128xf32>
    %add3A_349 = arith.addf %mul3A_348, %add3A_321 : vector<176x128xf32>
    %mul3A_350 = arith.mulf %get3A_331, %add3A_317 : vector<176x128xf32>
    %add3A_351 = arith.addf %mul3A_350, %add3A_325 : vector<176x128xf32>
    %exp3A = math.exp %min3A_338 : vector<176x128xf32>
    %mul3A_352 = arith.mulf %exp3A, %add3A_313 : vector<176x128xf32>
    %exp3A_353 = math.exp %min3A_347 : vector<176x128xf32>
    %mul3A_354 = arith.mulf %exp3A_353, %add3A_317 : vector<176x128xf32>
    %mul3A_355 = arith.constant 5.000000e-01 : f32
    %mul3A_356 = vector.broadcast %mul3A_355 : f32 to vector<176x128xf32>
    %mul3A_357 = arith.mulf %mul3A_356, %mul3A_352 : vector<176x128xf32>
    %sub3A_358 = arith.subf %add3A_349, %mul3A_357 : vector<176x128xf32>
    %sub3A_359 = arith.constant 1.000000e+00 : f32
    %sub3A_360 = arith.subf %get3A_2, %sub3A_359 : f32
    %jit3A_361 = arith.constant 0.000000e+00 : f32
    %max3A_362 = vector.broadcast %jit3A_361 : f32 to vector<176x128xf32>
    %max3A_363 = arith.maximumf %max3A_362, %sub3A_358 : vector<176x128xf32>
    %min3A_364 = vector.broadcast %sub3A_360 : f32 to vector<176x128xf32>
    %min3A_365 = arith.minimumf %min3A_364, %max3A_363 : vector<176x128xf32>
    %mul3A_366 = arith.constant 5.000000e-01 : f32
    %mul3A_367 = vector.broadcast %mul3A_366 : f32 to vector<176x128xf32>
    %mul3A_368 = arith.mulf %mul3A_367, %mul3A_354 : vector<176x128xf32>
    %sub3A_369 = arith.subf %add3A_351, %mul3A_368 : vector<176x128xf32>
    %sub3A_370 = arith.constant 1.000000e+00 : f32
    %sub3A_371 = arith.subf %get3A_0, %sub3A_370 : f32
    %jit3A_372 = arith.constant 0.000000e+00 : f32
    %max3A_373 = vector.broadcast %jit3A_372 : f32 to vector<176x128xf32>
    %max3A_374 = arith.maximumf %max3A_373, %sub3A_369 : vector<176x128xf32>
    %min3A_375 = vector.broadcast %sub3A_371 : f32 to vector<176x128xf32>
    %min3A_376 = arith.minimumf %min3A_375, %max3A_374 : vector<176x128xf32>
    %mul3A_377 = arith.constant 5.000000e-01 : f32
    %mul3A_378 = vector.broadcast %mul3A_377 : f32 to vector<176x128xf32>
    %mul3A_379 = arith.mulf %mul3A_378, %mul3A_352 : vector<176x128xf32>
    %add3A_380 = arith.addf %add3A_349, %mul3A_379 : vector<176x128xf32>
    %sub3A_381 = arith.constant 1.000000e+00 : f32
    %sub3A_382 = arith.subf %get3A_2, %sub3A_381 : f32
    %jit3A_383 = arith.constant 0.000000e+00 : f32
    %max3A_384 = vector.broadcast %jit3A_383 : f32 to vector<176x128xf32>
    %max3A_385 = arith.maximumf %max3A_384, %add3A_380 : vector<176x128xf32>
    %min3A_386 = vector.broadcast %sub3A_382 : f32 to vector<176x128xf32>
    %min3A_387 = arith.minimumf %min3A_386, %max3A_385 : vector<176x128xf32>
    %mul3A_388 = arith.constant 5.000000e-01 : f32
    %mul3A_389 = vector.broadcast %mul3A_388 : f32 to vector<176x128xf32>
    %mul3A_390 = arith.mulf %mul3A_389, %mul3A_354 : vector<176x128xf32>
    %add3A_391 = arith.addf %add3A_351, %mul3A_390 : vector<176x128xf32>
    %sub3A_392 = arith.constant 1.000000e+00 : f32
    %sub3A_393 = arith.subf %get3A_0, %sub3A_392 : f32
    %jit3A_394 = arith.constant 0.000000e+00 : f32
    %max3A_395 = vector.broadcast %jit3A_394 : f32 to vector<176x128xf32>
    %max3A_396 = arith.maximumf %max3A_395, %add3A_391 : vector<176x128xf32>
    %min3A_397 = vector.broadcast %sub3A_393 : f32 to vector<176x128xf32>
    %min3A_398 = arith.minimumf %min3A_397, %max3A_396 : vector<176x128xf32>
    %sub3A_399 = arith.subf %min3A_387, %min3A_365 : vector<176x128xf32>
    %add3A_400 = arith.constant 1.000000e+00 : f32
    %add3A_401 = vector.broadcast %add3A_400 : f32 to vector<176x128xf32>
    %add3A_402 = arith.addf %sub3A_399, %add3A_401 : vector<176x128xf32>
    %sub3A_403 = arith.subf %min3A_398, %min3A_376 : vector<176x128xf32>
    %add3A_404 = arith.constant 1.000000e+00 : f32
    %add3A_405 = vector.broadcast %add3A_404 : f32 to vector<176x128xf32>
    %add3A_406 = arith.addf %sub3A_403, %add3A_405 : vector<176x128xf32>
    %mul3A_407 = arith.constant 1.600000e+01 : f32
    %mul3A_408 = arith.mulf %mul3A_407, %get3A_4 : f32
    %ge3A = vector.broadcast %mul3A_408 : f32 to vector<176x128xf32>
    %ge3A_409 = arith.cmpf oge, %add3A_402, %ge3A : vector<176x128xf32>
    %ge3A_410 = vector.broadcast %mul3A_408 : f32 to vector<176x128xf32>
    %ge3A_411 = arith.cmpf oge, %add3A_406, %ge3A_410 : vector<176x128xf32>
    %and3A_412 = arith.andi %ge3A_409, %ge3A_411 : vector<176x128xi1>
    %get3A_413 = arith.constant 0 : index
    %get3A_414 = arith.constant 0 : index
    %get3A_415 = vector.load %arg1[%get3A_413, %get3A_414] : memref<176x128xf32, #tpu.memory_space<vmem>>, vector<176x128xf32>
    %jit3A_416 = arith.constant 0xFF800000 : f32
    %broadcast_in_dim3A_417 = vector.broadcast %jit3A_416 : f32 to vector<176x128xf32>
    %select_n3A_418 = arith.select %and3A_412, %get3A_415, %broadcast_in_dim3A_417 : vector<176x128xi1>, vector<176x128xf32>
    %bitcast_convert_type3A = tpu.bitcast %select_n3A_418 : vector<176x128xf32> -> vector<176x128xi32>
    %scan3A = arith.constant -8388608 : i32
    %scan3A_419 = arith.constant 1065353216 : i32
    %scan3A_420 = arith.constant 0 : i32
    %scan3A_421 = arith.constant 31 : i32
    %scan3A_422 = arith.addi %scan3A_420, %scan3A_421 : i32
    %scan3A_423 = arith.constant 1 : i32
    %scan3A_424:2 = scf.for %scan3A_498 = %scan3A_420 to %scan3A_422 step %scan3A_423 iter_args(%scan3A_499 = %scan3A, %scan3A_500 = %scan3A_419) -> (i32, i32)  : i32 {
      %sub3A_501 = arith.subi %scan3A_500, %scan3A_499 : i32
      %add3A_502 = arith.constant 1 : i32
      %add3A_503 = arith.addi %sub3A_501, %add3A_502 : i32
      %jit3A_504 = arith.constant 2 : i32
      %div3A_505 = arith.divsi %add3A_503, %jit3A_504 : i32
      %sign3A_506 = arith.constant 0 : i32
      %sign3A_507 = arith.cmpi sgt, %add3A_503, %sign3A_506 : i32
      %sign3A_508 = arith.extui %sign3A_507 : i1 to i32
      %sign3A_509 = arith.constant 0 : i32
      %sign3A_510 = arith.cmpi slt, %add3A_503, %sign3A_509 : i32
      %sign3A_511 = arith.extui %sign3A_510 : i1 to i32
      %sign3A_512 = arith.subi %sign3A_508, %sign3A_511 : i32
      %sign3A_513 = arith.constant 0 : i32
      %sign3A_514 = arith.cmpi sgt, %jit3A_504, %sign3A_513 : i32
      %sign3A_515 = arith.extui %sign3A_514 : i1 to i32
      %sign3A_516 = arith.constant 0 : i32
      %sign3A_517 = arith.cmpi slt, %jit3A_504, %sign3A_516 : i32
      %sign3A_518 = arith.extui %sign3A_517 : i1 to i32
      %sign3A_519 = arith.subi %sign3A_515, %sign3A_518 : i32
      %ne3A_520 = arith.cmpi ne, %sign3A_512, %sign3A_519 : i32
      %rem3A_521 = arith.remsi %add3A_503, %jit3A_504 : i32
      %ne3A_522 = arith.constant 0 : i32
      %ne3A_523 = arith.cmpi ne, %rem3A_521, %ne3A_522 : i32
      %and3A_524 = arith.andi %ne3A_520, %ne3A_523 : i1
      %sub3A_525 = arith.constant 1 : i32
      %sub3A_526 = arith.subi %div3A_505, %sub3A_525 : i32
      %select_n3A_527 = arith.select %and3A_524, %sub3A_526, %div3A_505 : i32
      %add3A_528 = arith.addi %scan3A_499, %select_n3A_527 : i32
      %ge3A_529 = vector.broadcast %add3A_528 : i32 to vector<176x128xi32>
      %ge3A_530 = arith.cmpi sge, %bitcast_convert_type3A, %ge3A_529 : vector<176x128xi32>
      %convert_element_type3A_531 = arith.extui %ge3A_530 : vector<176x128xi1> to vector<176x128xi32>
      %reduce_sum3A_532 = vector.shape_cast %convert_element_type3A_531 : vector<176x128xi32> to vector<1x176x128xi32>
      %reduce_sum3A_533 = arith.constant dense<0> : vector<1xi32>
      %reduce_sum3A_534 = vector.multi_reduction <add>, %reduce_sum3A_532, %reduce_sum3A_533 [1, 2] : vector<1x176x128xi32> to vector<1xi32>
      %reduce_sum3A_535 = vector.shape_cast %reduce_sum3A_534 : vector<1xi32> to vector<1x1x1xi32>
      %reduce_sum3A_536 = vector.extract %reduce_sum3A_535[0, 0, 0] : i32 from vector<1x1x1xi32>
      %ge3A_537 = arith.constant 6000 : i32
      %ge3A_538 = arith.cmpi sge, %reduce_sum3A_536, %ge3A_537 : i32
      %select_n3A_539 = arith.select %ge3A_538, %add3A_528, %scan3A_499 : i32
      %sub3A_540 = arith.constant 1 : i32
      %sub3A_541 = arith.subi %add3A_528, %sub3A_540 : i32
      %select_n3A_542 = arith.select %ge3A_538, %scan3A_500, %sub3A_541 : i32
      scf.yield %select_n3A_539, %select_n3A_542 : i32, i32
    }
    %iota3A_425 = tpu.iota {dimensions = array<i32: 0>} : vector<128x128xi32>
    %iota3A_426 = tpu.iota {dimensions = array<i32: 1>} : vector<128x128xi32>
    %lt3A = arith.cmpi slt, %iota3A_425, %iota3A_426 : vector<128x128xi32>
    %convert_element_type3A_427 = arith.extui %lt3A : vector<128x128xi1> to vector<128x128xi32>
    %convert_element_type3A_428 = arith.sitofp %convert_element_type3A_427 : vector<128x128xi32> to vector<128x128xf32>
    %iota3A_429 = tpu.iota {dimensions = array<i32: 1>} : vector<176x176xi32>
    %iota3A_430 = tpu.iota {dimensions = array<i32: 0>} : vector<176x176xi32>
    %lt3A_431 = arith.cmpi slt, %iota3A_429, %iota3A_430 : vector<176x176xi32>
    %convert_element_type3A_432 = arith.extui %lt3A_431 : vector<176x176xi1> to vector<176x176xi32>
    %convert_element_type3A_433 = arith.sitofp %convert_element_type3A_432 : vector<176x176xi32> to vector<176x176xf32>
    %gt3A = vector.broadcast %scan3A_424#0 : i32 to vector<176x128xi32>
    %gt3A_434 = arith.cmpi sgt, %bitcast_convert_type3A, %gt3A : vector<176x128xi32>
    %convert_element_type3A_435 = arith.extui %gt3A_434 : vector<176x128xi1> to vector<176x128xi32>
    %convert_element_type3A_436 = arith.sitofp %convert_element_type3A_435 : vector<176x128xi32> to vector<176x128xf32>
    %reduce_sum3A = vector.shape_cast %convert_element_type3A_436 : vector<176x128xf32> to vector<1x176x128xf32>
    %reduce_sum3A_437 = arith.constant dense<0.000000e+00> : vector<1xf32>
    %reduce_sum3A_438 = vector.multi_reduction <add>, %reduce_sum3A, %reduce_sum3A_437 [1, 2] : vector<1x176x128xf32> to vector<1xf32>
    %reduce_sum3A_439 = vector.shape_cast %reduce_sum3A_438 : vector<1xf32> to vector<1x1x1xf32>
    %reduce_sum3A_440 = vector.extract %reduce_sum3A_439[0, 0, 0] : f32 from vector<1x1x1xf32>
    %sub3A_441 = arith.constant 6.000000e+03 : f32
    %sub3A_442 = arith.subf %sub3A_441, %reduce_sum3A_440 : f32
    %eq3A_443 = vector.broadcast %scan3A_424#0 : i32 to vector<176x128xi32>
    %eq3A_444 = arith.cmpi eq, %bitcast_convert_type3A, %eq3A_443 : vector<176x128xi32>
    %convert_element_type3A_445 = arith.extui %eq3A_444 : vector<176x128xi1> to vector<176x128xi32>
    %convert_element_type3A_446 = arith.sitofp %convert_element_type3A_445 : vector<176x128xi32> to vector<176x128xf32>
    %dot_general3A = arith.constant dense<0.000000e+00> : vector<176x128xf32>
    %dot_general3A_447 = tpu.matmul %convert_element_type3A_446, %convert_element_type3A_428, %dot_general3A {dimension_numbers = #tpu.dot_dimension_numbers<[1], [0], [0], [1], [0, 0, 1, 1], [], []>, transpose_lhs_hint = false} : vector<176x128xf32>, vector<128x128xf32>, vector<176x128xf32> -> vector<176x128xf32>
    %dot_general3A_448 = arith.constant dense<0.000000e+00> : vector<176x128xf32>
    %dot_general3A_449 = tpu.matmul %convert_element_type3A_433, %convert_element_type3A_446, %dot_general3A_448 {dimension_numbers = #tpu.dot_dimension_numbers<[1], [0], [0], [1], [0, 0, 1, 1], [], []>, transpose_lhs_hint = false} : vector<176x176xf32>, vector<176x128xf32>, vector<176x128xf32> -> vector<176x128xf32>
    %reduce_sum3A_450 = arith.constant dense<0.000000e+00> : vector<176xf32>
    %reduce_sum3A_451 = vector.multi_reduction <add>, %dot_general3A_449, %reduce_sum3A_450 [1] : vector<176x128xf32> to vector<176xf32>
    %broadcast_in_dim3A_452 = vector.shape_cast %reduce_sum3A_451 : vector<176xf32> to vector<176x1xf32>
    %add3A_453 = vector.broadcast %broadcast_in_dim3A_452 : vector<176x1xf32> to vector<176x128xf32>
    %add3A_454 = arith.addf %dot_general3A_447, %add3A_453 : vector<176x128xf32>
    %gt3A_455 = vector.broadcast %scan3A_424#0 : i32 to vector<176x128xi32>
    %gt3A_456 = arith.cmpi sgt, %bitcast_convert_type3A, %gt3A_455 : vector<176x128xi32>
    %eq3A_457 = vector.broadcast %scan3A_424#0 : i32 to vector<176x128xi32>
    %eq3A_458 = arith.cmpi eq, %bitcast_convert_type3A, %eq3A_457 : vector<176x128xi32>
    %lt3A_459 = vector.broadcast %sub3A_442 : f32 to vector<176x128xf32>
    %lt3A_460 = arith.cmpf olt, %add3A_454, %lt3A_459 : vector<176x128xf32>
    %and3A_461 = arith.andi %eq3A_458, %lt3A_460 : vector<176x128xi1>
    %or3A = arith.ori %gt3A_456, %and3A_461 : vector<176x128xi1>
    %convert_element_type3A_462 = arith.extui %or3A : vector<176x128xi1> to vector<176x128xi32>
    %convert_element_type3A_463 = arith.sitofp %convert_element_type3A_462 : vector<176x128xi32> to vector<176x128xf32>
    %dot_general3A_464 = arith.constant dense<0.000000e+00> : vector<176x128xf32>
    %dot_general3A_465 = tpu.matmul %convert_element_type3A_463, %convert_element_type3A_428, %dot_general3A_464 {dimension_numbers = #tpu.dot_dimension_numbers<[1], [0], [0], [1], [0, 0, 1, 1], [], []>, transpose_lhs_hint = false} : vector<176x128xf32>, vector<128x128xf32>, vector<176x128xf32> -> vector<176x128xf32>
    %dot_general3A_466 = arith.constant dense<0.000000e+00> : vector<176x128xf32>
    %dot_general3A_467 = tpu.matmul %convert_element_type3A_433, %convert_element_type3A_463, %dot_general3A_466 {dimension_numbers = #tpu.dot_dimension_numbers<[1], [0], [0], [1], [0, 0, 1, 1], [], []>, transpose_lhs_hint = false} : vector<176x176xf32>, vector<176x128xf32>, vector<176x128xf32> -> vector<176x128xf32>
    %reduce_sum3A_468 = arith.constant dense<0.000000e+00> : vector<176xf32>
    %reduce_sum3A_469 = vector.multi_reduction <add>, %dot_general3A_467, %reduce_sum3A_468 [1] : vector<176x128xf32> to vector<176xf32>
    %broadcast_in_dim3A_470 = vector.shape_cast %reduce_sum3A_469 : vector<176xf32> to vector<176x1xf32>
    %add3A_471 = vector.broadcast %broadcast_in_dim3A_470 : vector<176x1xf32> to vector<176x128xf32>
    %add3A_472 = arith.addf %dot_general3A_465, %add3A_471 : vector<176x128xf32>
    %jit3A_473 = arith.constant 0xFF800000 : f32
    %broadcast_in_dim3A_474 = vector.broadcast %jit3A_473 : f32 to vector<176x128xf32>
    %select_n3A_475 = arith.select %or3A, %select_n3A_418, %broadcast_in_dim3A_474 : vector<176x128xi1>, vector<176x128xf32>
    %swap3A = arith.constant 0 : index
    %swap3A_476 = arith.constant 0 : index
    %swap3A_477 = vector.load %arg6[%swap3A, %swap3A_476] : memref<176x128xf32, #tpu.memory_space<vmem>>, vector<176x128xf32>
    tpu.vector_store %arg6[%swap3A, %swap3A_476], %select_n3A_475 {strides = array<i32>} : memref<176x128xf32, #tpu.memory_space<vmem>>, vector<176x128xf32>,
    %swap3A_478 = arith.constant 0 : index
    %swap3A_479 = arith.constant 0 : index
    %swap3A_480 = vector.load %arg7[%swap3A_478, %swap3A_479] : memref<176x128xf32, #tpu.memory_space<vmem>>, vector<176x128xf32>
    tpu.vector_store %arg7[%swap3A_478, %swap3A_479], %min3A_365 {strides = array<i32>} : memref<176x128xf32, #tpu.memory_space<vmem>>, vector<176x128xf32>,
    %swap3A_481 = arith.constant 0 : index
    %swap3A_482 = arith.constant 0 : index
    %swap3A_483 = vector.load %arg8[%swap3A_481, %swap3A_482] : memref<176x128xf32, #tpu.memory_space<vmem>>, vector<176x128xf32>
    tpu.vector_store %arg8[%swap3A_481, %swap3A_482], %min3A_376 {strides = array<i32>} : memref<176x128xf32, #tpu.memory_space<vmem>>, vector<176x128xf32>,
    %swap3A_484 = arith.constant 0 : index
    %swap3A_485 = arith.constant 0 : index
    %swap3A_486 = vector.load %arg9[%swap3A_484, %swap3A_485] : memref<176x128xf32, #tpu.memory_space<vmem>>, vector<176x128xf32>
    tpu.vector_store %arg9[%swap3A_484, %swap3A_485], %min3A_387 {strides = array<i32>} : memref<176x128xf32, #tpu.memory_space<vmem>>, vector<176x128xf32>,
    %swap3A_487 = arith.constant 0 : index
    %swap3A_488 = arith.constant 0 : index
    %swap3A_489 = vector.load %arg10[%swap3A_487, %swap3A_488] : memref<176x128xf32, #tpu.memory_space<vmem>>, vector<176x128xf32>
    tpu.vector_store %arg10[%swap3A_487, %swap3A_488], %min3A_398 {strides = array<i32>} : memref<176x128xf32, #tpu.memory_space<vmem>>, vector<176x128xf32>,
    %convert_element_type3A_490 = arith.fptosi %add3A_472 : vector<176x128xf32> to vector<176x128xi32>
    %add3A_491 = arith.constant 6144 : i32
    %add3A_492 = vector.broadcast %add3A_491 : i32 to vector<176x128xi32>
    %add3A_493 = arith.addi %add3A_492, %add3A : vector<176x128xi32>
    %select_n3A_494 = arith.select %or3A, %convert_element_type3A_490, %add3A_493 : vector<176x128xi1>, vector<176x128xi32>
    %swap3A_495 = arith.constant 0 : index
    %swap3A_496 = arith.constant 0 : index
    %swap3A_497 = vector.load %arg11[%swap3A_495, %swap3A_496] : memref<176x128xi32, #tpu.memory_space<vmem>>, vector<176x128xi32>
    tpu.vector_store %arg11[%swap3A_495, %swap3A_496], %select_n3A_494 {strides = array<i32>} : memref<176x128xi32, #tpu.memory_space<vmem>>, vector<176x128xi32>,
    return
  }
}

module attributes {stable_mosaic.version = 14 : i64} {
  func.func @_nms_body(%arg0: memref<48x128xf32, #tpu.memory_space<vmem>>, %arg1: memref<48x128xf32, #tpu.memory_space<vmem>>, %arg2: memref<48x128xf32, #tpu.memory_space<vmem>>, %arg3: memref<48x128xf32, #tpu.memory_space<vmem>>, %arg4: memref<48x128xf32, #tpu.memory_space<vmem>>, %arg5: memref<304x128xf32, #tpu.memory_space<vmem>>, %arg6: memref<48x128xf32, #tpu.memory_space<vmem>>) attributes {dimension_semantics = [], scalar_prefetch = 0 : i64, scratch_operands = 1 : i64, tpu.core_type = #tpu.core_type<tc>} {
    %iota3A = tpu.iota {dimensions = array<i32: 0>} : vector<48x128xi32>
    %mul3A = arith.constant 128 : i32
    %mul3A_0 = vector.broadcast %mul3A : i32 to vector<48x128xi32>
    %mul3A_1 = arith.muli %iota3A, %mul3A_0 : vector<48x128xi32>
    %iota3A_2 = tpu.iota {dimensions = array<i32: 1>} : vector<48x128xi32>
    %add3A = arith.addi %mul3A_1, %iota3A_2 : vector<48x128xi32>
    %lt3A = arith.constant 6000 : i32
    %lt3A_3 = vector.broadcast %lt3A : i32 to vector<48x128xi32>
    %lt3A_4 = arith.cmpi slt, %add3A, %lt3A_3 : vector<48x128xi32>
    %get3A = arith.constant 0 : index
    %get3A_5 = arith.constant 0 : index
    %get3A_6 = vector.load %arg0[%get3A, %get3A_5] : memref<48x128xf32, #tpu.memory_space<vmem>>, vector<48x128xf32>
    %jit3A = arith.constant 0xFF800000 : f32
    %broadcast_in_dim3A = vector.broadcast %jit3A : f32 to vector<48x128xf32>
    %select_n3A = arith.select %lt3A_4, %get3A_6, %broadcast_in_dim3A : vector<48x128xi1>, vector<48x128xf32>
    %swap3A = arith.constant 0 : index
    %swap3A_7 = arith.constant 0 : index
    %swap3A_8 = vector.load %arg6[%swap3A, %swap3A_7] : memref<48x128xf32, #tpu.memory_space<vmem>>, vector<48x128xf32>
    tpu.vector_store %arg6[%swap3A, %swap3A_7], %select_n3A {strides = array<i32>} : memref<48x128xf32, #tpu.memory_space<vmem>>, vector<48x128xf32>,
    %get3A_9 = arith.constant 0 : index
    %get3A_10 = arith.constant 0 : index
    %get3A_11 = vector.load %arg1[%get3A_9, %get3A_10] : memref<48x128xf32, #tpu.memory_space<vmem>>, vector<48x128xf32>
    %get3A_12 = arith.constant 0 : index
    %get3A_13 = arith.constant 0 : index
    %get3A_14 = vector.load %arg2[%get3A_12, %get3A_13] : memref<48x128xf32, #tpu.memory_space<vmem>>, vector<48x128xf32>
    %get3A_15 = arith.constant 0 : index
    %get3A_16 = arith.constant 0 : index
    %get3A_17 = vector.load %arg3[%get3A_15, %get3A_16] : memref<48x128xf32, #tpu.memory_space<vmem>>, vector<48x128xf32>
    %get3A_18 = arith.constant 0 : index
    %get3A_19 = arith.constant 0 : index
    %get3A_20 = vector.load %arg4[%get3A_18, %get3A_19] : memref<48x128xf32, #tpu.memory_space<vmem>>, vector<48x128xf32>
    %sub3A = arith.subf %get3A_17, %get3A_11 : vector<48x128xf32>
    %add3A_21 = arith.constant 1.000000e+00 : f32
    %add3A_22 = vector.broadcast %add3A_21 : f32 to vector<48x128xf32>
    %add3A_23 = arith.addf %sub3A, %add3A_22 : vector<48x128xf32>
    %sub3A_24 = arith.subf %get3A_20, %get3A_14 : vector<48x128xf32>
    %add3A_25 = arith.constant 1.000000e+00 : f32
    %add3A_26 = vector.broadcast %add3A_25 : f32 to vector<48x128xf32>
    %add3A_27 = arith.addf %sub3A_24, %add3A_26 : vector<48x128xf32>
    %mul3A_28 = arith.mulf %add3A_23, %add3A_27 : vector<48x128xf32>
    %convert_element_type3A = arith.sitofp %add3A : vector<48x128xi32> to vector<48x128xf32>
    %iota3A_29 = tpu.iota {dimensions = array<i32: 1>} : vector<1x128xi32>
    %scan3A = arith.constant 0 : i32
    %scan3A_30 = arith.constant 300 : i32
    %scan3A_31 = arith.addi %scan3A, %scan3A_30 : i32
    %scan3A_32 = arith.constant 1 : i32
    scf.for %scan3A_34 = %scan3A to %scan3A_31 step %scan3A_32  : i32 {
      %get3A_35 = arith.constant 0 : index
      %get3A_36 = arith.constant 0 : index
      %get3A_37 = vector.load %arg6[%get3A_35, %get3A_36] : memref<48x128xf32, #tpu.memory_space<vmem>>, vector<48x128xf32>
      %reduce_max3A = vector.shape_cast %get3A_37 : vector<48x128xf32> to vector<1x48x128xf32>
      %reduce_max3A_38 = arith.constant dense<0xFF800000> : vector<1xf32>
      %reduce_max3A_39 = vector.multi_reduction <maximumf>, %reduce_max3A, %reduce_max3A_38 [1, 2] : vector<1x48x128xf32> to vector<1xf32>
      %reduce_max3A_40 = vector.shape_cast %reduce_max3A_39 : vector<1xf32> to vector<1x1x1xf32>
      %reduce_max3A_41 = vector.extract %reduce_max3A_40[0, 0, 0] : f32 from vector<1x1x1xf32>
      %broadcast_in_dim3A_42 = vector.broadcast %reduce_max3A_41 : f32 to vector<1x1xf32>
      %eq3A = vector.broadcast %broadcast_in_dim3A_42 : vector<1x1xf32> to vector<48x128xf32>
      %eq3A_43 = arith.cmpf oeq, %get3A_37, %eq3A : vector<48x128xf32>
      %jit3A_44 = arith.constant 6.144000e+03 : f32
      %broadcast_in_dim3A_45 = vector.broadcast %jit3A_44 : f32 to vector<48x128xf32>
      %select_n3A_46 = arith.select %eq3A_43, %convert_element_type3A, %broadcast_in_dim3A_45 : vector<48x128xi1>, vector<48x128xf32>
      %reduce_min3A = vector.shape_cast %select_n3A_46 : vector<48x128xf32> to vector<1x48x128xf32>
      %reduce_min3A_47 = arith.constant dense<0x7F800000> : vector<1xf32>
      %reduce_min3A_48 = vector.multi_reduction <minimumf>, %reduce_min3A, %reduce_min3A_47 [1, 2] : vector<1x48x128xf32> to vector<1xf32>
      %reduce_min3A_49 = vector.shape_cast %reduce_min3A_48 : vector<1xf32> to vector<1x1x1xf32>
      %reduce_min3A_50 = vector.extract %reduce_min3A_49[0, 0, 0] : f32 from vector<1x1x1xf32>
      %broadcast_in_dim3A_51 = vector.broadcast %reduce_min3A_50 : f32 to vector<1x1xf32>
      %eq3A_52 = vector.broadcast %broadcast_in_dim3A_51 : vector<1x1xf32> to vector<48x128xf32>
      %eq3A_53 = arith.cmpf oeq, %convert_element_type3A, %eq3A_52 : vector<48x128xf32>
      %jit3A_54 = arith.constant 0.000000e+00 : f32
      %broadcast_in_dim3A_55 = vector.broadcast %jit3A_54 : f32 to vector<48x128xf32>
      %select_n3A_56 = arith.select %eq3A_53, %get3A_11, %broadcast_in_dim3A_55 : vector<48x128xi1>, vector<48x128xf32>
      %reduce_sum3A = vector.shape_cast %select_n3A_56 : vector<48x128xf32> to vector<1x48x128xf32>
      %reduce_sum3A_57 = arith.constant dense<0.000000e+00> : vector<1xf32>
      %reduce_sum3A_58 = vector.multi_reduction <add>, %reduce_sum3A, %reduce_sum3A_57 [1, 2] : vector<1x48x128xf32> to vector<1xf32>
      %reduce_sum3A_59 = vector.shape_cast %reduce_sum3A_58 : vector<1xf32> to vector<1x1x1xf32>
      %reduce_sum3A_60 = vector.extract %reduce_sum3A_59[0, 0, 0] : f32 from vector<1x1x1xf32>
      %broadcast_in_dim3A_61 = vector.broadcast %reduce_sum3A_60 : f32 to vector<1x1xf32>
      %jit3A_62 = arith.constant 0.000000e+00 : f32
      %broadcast_in_dim3A_63 = vector.broadcast %jit3A_62 : f32 to vector<48x128xf32>
      %select_n3A_64 = arith.select %eq3A_53, %get3A_14, %broadcast_in_dim3A_63 : vector<48x128xi1>, vector<48x128xf32>
      %reduce_sum3A_65 = vector.shape_cast %select_n3A_64 : vector<48x128xf32> to vector<1x48x128xf32>
      %reduce_sum3A_66 = arith.constant dense<0.000000e+00> : vector<1xf32>
      %reduce_sum3A_67 = vector.multi_reduction <add>, %reduce_sum3A_65, %reduce_sum3A_66 [1, 2] : vector<1x48x128xf32> to vector<1xf32>
      %reduce_sum3A_68 = vector.shape_cast %reduce_sum3A_67 : vector<1xf32> to vector<1x1x1xf32>
      %reduce_sum3A_69 = vector.extract %reduce_sum3A_68[0, 0, 0] : f32 from vector<1x1x1xf32>
      %broadcast_in_dim3A_70 = vector.broadcast %reduce_sum3A_69 : f32 to vector<1x1xf32>
      %jit3A_71 = arith.constant 0.000000e+00 : f32
      %broadcast_in_dim3A_72 = vector.broadcast %jit3A_71 : f32 to vector<48x128xf32>
      %select_n3A_73 = arith.select %eq3A_53, %get3A_17, %broadcast_in_dim3A_72 : vector<48x128xi1>, vector<48x128xf32>
      %reduce_sum3A_74 = vector.shape_cast %select_n3A_73 : vector<48x128xf32> to vector<1x48x128xf32>
      %reduce_sum3A_75 = arith.constant dense<0.000000e+00> : vector<1xf32>
      %reduce_sum3A_76 = vector.multi_reduction <add>, %reduce_sum3A_74, %reduce_sum3A_75 [1, 2] : vector<1x48x128xf32> to vector<1xf32>
      %reduce_sum3A_77 = vector.shape_cast %reduce_sum3A_76 : vector<1xf32> to vector<1x1x1xf32>
      %reduce_sum3A_78 = vector.extract %reduce_sum3A_77[0, 0, 0] : f32 from vector<1x1x1xf32>
      %broadcast_in_dim3A_79 = vector.broadcast %reduce_sum3A_78 : f32 to vector<1x1xf32>
      %jit3A_80 = arith.constant 0.000000e+00 : f32
      %broadcast_in_dim3A_81 = vector.broadcast %jit3A_80 : f32 to vector<48x128xf32>
      %select_n3A_82 = arith.select %eq3A_53, %get3A_20, %broadcast_in_dim3A_81 : vector<48x128xi1>, vector<48x128xf32>
      %reduce_sum3A_83 = vector.shape_cast %select_n3A_82 : vector<48x128xf32> to vector<1x48x128xf32>
      %reduce_sum3A_84 = arith.constant dense<0.000000e+00> : vector<1xf32>
      %reduce_sum3A_85 = vector.multi_reduction <add>, %reduce_sum3A_83, %reduce_sum3A_84 [1, 2] : vector<1x48x128xf32> to vector<1xf32>
      %reduce_sum3A_86 = vector.shape_cast %reduce_sum3A_85 : vector<1xf32> to vector<1x1x1xf32>
      %reduce_sum3A_87 = vector.extract %reduce_sum3A_86[0, 0, 0] : f32 from vector<1x1x1xf32>
      %broadcast_in_dim3A_88 = vector.broadcast %reduce_sum3A_87 : f32 to vector<1x1xf32>
      %sub3A_89 = arith.subf %broadcast_in_dim3A_79, %broadcast_in_dim3A_61 : vector<1x1xf32>
      %add3A_90 = arith.constant 1.000000e+00 : f32
      %add3A_91 = vector.broadcast %add3A_90 : f32 to vector<1x1xf32>
      %add3A_92 = arith.addf %sub3A_89, %add3A_91 : vector<1x1xf32>
      %sub3A_93 = arith.subf %broadcast_in_dim3A_88, %broadcast_in_dim3A_70 : vector<1x1xf32>
      %add3A_94 = arith.constant 1.000000e+00 : f32
      %add3A_95 = vector.broadcast %add3A_94 : f32 to vector<1x1xf32>
      %add3A_96 = arith.addf %sub3A_93, %add3A_95 : vector<1x1xf32>
      %mul3A_97 = arith.mulf %add3A_92, %add3A_96 : vector<1x1xf32>
      %max3A = vector.broadcast %broadcast_in_dim3A_61 : vector<1x1xf32> to vector<48x128xf32>
      %max3A_98 = arith.maximumf %max3A, %get3A_11 : vector<48x128xf32>
      %max3A_99 = vector.broadcast %broadcast_in_dim3A_70 : vector<1x1xf32> to vector<48x128xf32>
      %max3A_100 = arith.maximumf %max3A_99, %get3A_14 : vector<48x128xf32>
      %min3A = vector.broadcast %broadcast_in_dim3A_79 : vector<1x1xf32> to vector<48x128xf32>
      %min3A_101 = arith.minimumf %min3A, %get3A_17 : vector<48x128xf32>
      %min3A_102 = vector.broadcast %broadcast_in_dim3A_88 : vector<1x1xf32> to vector<48x128xf32>
      %min3A_103 = arith.minimumf %min3A_102, %get3A_20 : vector<48x128xf32>
      %sub3A_104 = arith.subf %min3A_101, %max3A_98 : vector<48x128xf32>
      %add3A_105 = arith.constant 1.000000e+00 : f32
      %add3A_106 = vector.broadcast %add3A_105 : f32 to vector<48x128xf32>
      %add3A_107 = arith.addf %sub3A_104, %add3A_106 : vector<48x128xf32>
      %max3A_108 = arith.constant 0.000000e+00 : f32
      %max3A_109 = vector.broadcast %max3A_108 : f32 to vector<48x128xf32>
      %max3A_110 = arith.maximumf %max3A_109, %add3A_107 : vector<48x128xf32>
      %sub3A_111 = arith.subf %min3A_103, %max3A_100 : vector<48x128xf32>
      %add3A_112 = arith.constant 1.000000e+00 : f32
      %add3A_113 = vector.broadcast %add3A_112 : f32 to vector<48x128xf32>
      %add3A_114 = arith.addf %sub3A_111, %add3A_113 : vector<48x128xf32>
      %max3A_115 = arith.constant 0.000000e+00 : f32
      %max3A_116 = vector.broadcast %max3A_115 : f32 to vector<48x128xf32>
      %max3A_117 = arith.maximumf %max3A_116, %add3A_114 : vector<48x128xf32>
      %mul3A_118 = arith.mulf %max3A_110, %max3A_117 : vector<48x128xf32>
      %add3A_119 = vector.broadcast %mul3A_97 : vector<1x1xf32> to vector<48x128xf32>
      %add3A_120 = arith.addf %add3A_119, %mul3A_28 : vector<48x128xf32>
      %sub3A_121 = arith.subf %add3A_120, %mul3A_118 : vector<48x128xf32>
      %div3A = arith.divf %mul3A_118, %sub3A_121 : vector<48x128xf32>
      %gt3A = arith.constant 0.699999988 : f32
      %gt3A_122 = vector.broadcast %gt3A : f32 to vector<48x128xf32>
      %gt3A_123 = arith.cmpf ogt, %div3A, %gt3A_122 : vector<48x128xf32>
      %jit3A_124 = arith.constant 0xFF800000 : f32
      %broadcast_in_dim3A_125 = vector.broadcast %jit3A_124 : f32 to vector<48x128xf32>
      %select_n3A_126 = arith.select %gt3A_123, %broadcast_in_dim3A_125, %get3A_37 : vector<48x128xi1>, vector<48x128xf32>
      %swap3A_127 = arith.constant 0 : index
      %swap3A_128 = arith.constant 0 : index
      %swap3A_129 = vector.load %arg6[%swap3A_127, %swap3A_128] : memref<48x128xf32, #tpu.memory_space<vmem>>, vector<48x128xf32>
      tpu.vector_store %arg6[%swap3A_127, %swap3A_128], %select_n3A_126 {strides = array<i32>} : memref<48x128xf32, #tpu.memory_space<vmem>>, vector<48x128xf32>,
      %gt3A_130 = arith.constant 0xFF800000 : f32
      %gt3A_131 = vector.broadcast %gt3A_130 : f32 to vector<1x1xf32>
      %gt3A_132 = arith.cmpf ogt, %broadcast_in_dim3A_42, %gt3A_131 : vector<1x1xf32>
      %jit3A_133 = arith.constant 1.000000e+00 : f32
      %jit3A_134 = arith.constant 0.000000e+00 : f32
      %broadcast_in_dim3A_135 = vector.broadcast %jit3A_133 : f32 to vector<1x1xf32>
      %broadcast_in_dim3A_136 = vector.broadcast %jit3A_134 : f32 to vector<1x1xf32>
      %select_n3A_137 = arith.select %gt3A_132, %broadcast_in_dim3A_135, %broadcast_in_dim3A_136 : vector<1x1xi1>, vector<1x1xf32>
      %eq3A_138 = arith.constant 1 : i32
      %eq3A_139 = vector.broadcast %eq3A_138 : i32 to vector<1x128xi32>
      %eq3A_140 = arith.cmpi eq, %iota3A_29, %eq3A_139 : vector<1x128xi32>
      %jit3A_141 = arith.constant 0.000000e+00 : f32
      %broadcast_in_dim3A_142 = vector.shape_cast %broadcast_in_dim3A_61 : vector<1x1xf32> to vector<1x1xf32>
      %broadcast_in_dim3A_143 = vector.broadcast %broadcast_in_dim3A_142 : vector<1x1xf32> to vector<1x128xf32>
      %broadcast_in_dim3A_144 = vector.broadcast %jit3A_141 : f32 to vector<1x128xf32>
      %select_n3A_145 = arith.select %eq3A_140, %broadcast_in_dim3A_143, %broadcast_in_dim3A_144 : vector<1x128xi1>, vector<1x128xf32>
      %eq3A_146 = arith.constant 2 : i32
      %eq3A_147 = vector.broadcast %eq3A_146 : i32 to vector<1x128xi32>
      %eq3A_148 = arith.cmpi eq, %iota3A_29, %eq3A_147 : vector<1x128xi32>
      %jit3A_149 = arith.constant 0.000000e+00 : f32
      %broadcast_in_dim3A_150 = vector.shape_cast %broadcast_in_dim3A_70 : vector<1x1xf32> to vector<1x1xf32>
      %broadcast_in_dim3A_151 = vector.broadcast %broadcast_in_dim3A_150 : vector<1x1xf32> to vector<1x128xf32>
      %broadcast_in_dim3A_152 = vector.broadcast %jit3A_149 : f32 to vector<1x128xf32>
      %select_n3A_153 = arith.select %eq3A_148, %broadcast_in_dim3A_151, %broadcast_in_dim3A_152 : vector<1x128xi1>, vector<1x128xf32>
      %add3A_154 = arith.addf %select_n3A_145, %select_n3A_153 : vector<1x128xf32>
      %eq3A_155 = arith.constant 3 : i32
      %eq3A_156 = vector.broadcast %eq3A_155 : i32 to vector<1x128xi32>
      %eq3A_157 = arith.cmpi eq, %iota3A_29, %eq3A_156 : vector<1x128xi32>
      %jit3A_158 = arith.constant 0.000000e+00 : f32
      %broadcast_in_dim3A_159 = vector.shape_cast %broadcast_in_dim3A_79 : vector<1x1xf32> to vector<1x1xf32>
      %broadcast_in_dim3A_160 = vector.broadcast %broadcast_in_dim3A_159 : vector<1x1xf32> to vector<1x128xf32>
      %broadcast_in_dim3A_161 = vector.broadcast %jit3A_158 : f32 to vector<1x128xf32>
      %select_n3A_162 = arith.select %eq3A_157, %broadcast_in_dim3A_160, %broadcast_in_dim3A_161 : vector<1x128xi1>, vector<1x128xf32>
      %add3A_163 = arith.addf %add3A_154, %select_n3A_162 : vector<1x128xf32>
      %eq3A_164 = arith.constant 4 : i32
      %eq3A_165 = vector.broadcast %eq3A_164 : i32 to vector<1x128xi32>
      %eq3A_166 = arith.cmpi eq, %iota3A_29, %eq3A_165 : vector<1x128xi32>
      %jit3A_167 = arith.constant 0.000000e+00 : f32
      %broadcast_in_dim3A_168 = vector.shape_cast %broadcast_in_dim3A_88 : vector<1x1xf32> to vector<1x1xf32>
      %broadcast_in_dim3A_169 = vector.broadcast %broadcast_in_dim3A_168 : vector<1x1xf32> to vector<1x128xf32>
      %broadcast_in_dim3A_170 = vector.broadcast %jit3A_167 : f32 to vector<1x128xf32>
      %select_n3A_171 = arith.select %eq3A_166, %broadcast_in_dim3A_169, %broadcast_in_dim3A_170 : vector<1x128xi1>, vector<1x128xf32>
      %add3A_172 = arith.addf %add3A_163, %select_n3A_171 : vector<1x128xf32>
      %mul3A_173 = vector.broadcast %select_n3A_137 : vector<1x1xf32> to vector<1x128xf32>
      %mul3A_174 = arith.mulf %mul3A_173, %add3A_172 : vector<1x128xf32>
      %swap3A_175 = arith.index_cast %scan3A_34 : i32 to index
      %swap3A_176 = arith.constant 0 : index
      %swap3A_177 = vector.load %arg5[%swap3A_175, %swap3A_176] : memref<304x128xf32, #tpu.memory_space<vmem>>, vector<1x128xf32>
      tpu.vector_store %arg5[%swap3A_175, %swap3A_176], %mul3A_174 {strides = array<i32>} : memref<304x128xf32, #tpu.memory_space<vmem>>, vector<1x128xf32>,
    }
    %scan3A_33 = arith.constant 300 : i32
    return
  }
}

</mosaic_0001>

<sc_bundles>
// kernel: kernel.5.cloned.1.call-start
scs
__scs_entry_jumppad:
0x0: {  	(pc) =	sbr.rel $0x88, $3  }
0x1: {  	(tag) =	ssettag $0x0;
	lr =	simm.s32 $0x1  }
0x2: {  	[smem:$0x3F9E] =	sst lr;
	_ =	strace $0xD0000000  }
0x3: {  	_ = 	snop  }
0x4: {  	_ = 	snop  }
0x5: {  	_ = 	snop  }
0x6: {  	_ = 	snop  }
0x7: {  	_ = 	snop  }
__scs_overlays_trampoline_lowered:
0x8: {  	[smem:$0x3FAD] =	sst s0  }
0x9: {  	[smem:$0x3FAE] =	sst s1  }
0xa: {  	[smem:$0x3FAF] =	sst s2  }
0xb: {  	[smem:$0x3FB0] =	sst s3  }
0xc: {  	[smem:$0x3FB1] =	sst s4  }
0xd: {  	[smem:$0x3FB2] =	sst s5  }
0xe: {  	[smem:$0x3FB3] =	sst s6  }
0xf: {  	[smem:$0x3FB4] =	sst s7  }
0x10: {  	[smem:$0x3FB5] =	sst s8  }
0x11: {  	[smem:$0x3FB6] =	sst s9;
	s0 =	simm.s32 @!p0 $0x0  }
0x12: {  	s1 =	sld [smem:$0x3F9C];
	s0 =	simm.s32 @p0 $0x1  }
0x13: {  	[smem:$0x3FB7] =	sst s0;
	s0 =	simm.s32 @!p1 $0x0  }
0x14: {  	s2 =	sld [smem:$0x3F9B];
	s0 =	simm.s32 @p1 $0x1  }
0x15: {  	[smem:$0x3FB8] =	sst s0;
	s0 =	simm.s32 @!p2 $0x0  }
0x16: {  	s3 =	sld [smem:$0x3FDB];
	s0 =	simm.s32 @p2 $0x1  }
0x17: {  	s4 =	simm.s32 $0x1BF5;
	[smem:$0x3FBA] =	sst s0  }
0x18: {  	s0 =	sld [smem:$0x3F9D];
	_ =	swait.ge [sflag:s4], $0x0  }
0x19: {  	s7 =	sld [smem:$0x3F9E]  }
0x1a: {  	s8 =	sadd.s32 $0xFFFFE003, lr  }
0x1b: {  	s9 =	sadd.s32 $0xFFFFFEF7, lr;
	s5 =	simm.s32 $0xFFFFFFFF;
	p2 =	slt.u32 s8, $0xFFFFF086  }
0x1c: {  	p1 =	slt.u32 s9, $0xF7A;
	s5 =	simm.s32 @!p2 $0x0  }
0x1d: {  	s5 =	simm.s32 @p1 $0x1;
	p0 =	seq.s32 s7, s2  }
0x1e: {  	s7 =	smul.u32 @!p0 $0xF7A, s2;
	p2 =	seq.s32 @!p0 s5, $0x0  }
0x1f: {  	s9 =	smul.u32 $0xF7A, s1;
	s8 =	simm.s32 @!p0 $0x1BF5;
	p2 =	por !p2, p0  }
0x20: {  	[sflag:s8] =	ssyncset.s32 @!p0 $0xFFFFF086;
	s6 =	sadd.s32 @!p0 s3, s7;
	s7 =	simm.s32 @!p0 $0x108  }
0x21: {  	s3 =	sadd.s32 s3, s9;
	s6 =	sadd.s32 @!p0 $0x88, s6;
	s7 =	simm.s32 @p2 $0x1082  }
0x22: {  	[simem:s7], [sflag:s8] =	dma.local @!p0 [hbm:s6], $0xF7A  }
0x23: {  	s9 =	sor.u32 $0xD0000000, s2;
	s6 =	simm.s32 $0x108;
	_ =	swait.ge @!p0 [sflag:s8], $0x0  }
0x24: {  	s3 =	sadd.s32 $0x88, s3;
	s6 =	simm.s32 @!p1 $0x1082;
	[sflag:s4] =	ssyncset.s32 $0xFFFFF086  }
0x25: {  	[simem:s6], [sflag:s4] =	dma.local [hbm:s3], $0xF7A  }
0x26: {  	[smem:$0x3F9E] =	sst s1;
	(tag) =	ssettag s2;
	_ =	strace s9  }
0x27: {  	s1 =	sld [smem:$0x3FAE]  }
0x28: {  	s2 =	sld [smem:$0x3FAF]  }
0x29: {  	s4 =	sld [smem:$0x3FB1]  }
0x2a: {  	p0 =	seq.s32 s5, $0x0;
	s5 =	sld [smem:$0x3FB2]  }
0x2b: {  	s6 =	sld [smem:$0x3FB3]  }
0x2c: {  	s7 =	sld [smem:$0x3FB4]  }
0x2d: {  	s3 =	simm.s32 $0x108;
	s8 =	sld [smem:$0x3FB5]  }
0x2e: {  	s3 =	simm.s32 @!p0 $0x1082;
	s9 =	sld [smem:$0x3FB6]  }
0x2f: {  	lr =	sadd.s32 s0, s3;
	s0 =	sld [smem:$0x3FAD]  }
0x30: {  	s3 =	sld [smem:$0x3FB0]  }
0x31: {  	[smem:$0x3FB9] =	sst s10  }
0x32: {  	s10 =	sld [smem:$0x3FB7];
	_ =	sdelay $0x3  }
0x33: {  	p0 =	seq.s32 s10, $0x1;
	s10 =	sld [smem:$0x3FB9];
	_ =	sdelay $0x3  }
0x34: {  	[smem:$0x3FB9] =	sst s10  }
0x35: {  	s10 =	sld [smem:$0x3FB8];
	_ =	sdelay $0x3  }
0x36: {  	p1 =	seq.s32 s10, $0x1;
	s10 =	sld [smem:$0x3FB9];
	_ =	sdelay $0x3  }
0x37: {  	[smem:$0x3FB9] =	sst s10  }
0x38: {  	s10 =	sld [smem:$0x3FBA]  }
0x39: {  	_ = 	snop;
	(pc) =	sbr.ind lr, $3  }
0x3a: {  	_ = 	snop  }
0x3b: {  	_ = 	snop  }
0x3c: {  	p2 =	seq.s32 s10, $0x1;
	s10 =	sld [smem:$0x3FB9]  }
0x3d: {  	_ =	shalt  }
0x3e: {  	_ =	shalt  }
0x3f: {  	_ =	shalt  }
0x40: {  	_ =	shalt  }
0x41: {  	_ =	shalt  }
0x42: {  	_ =	shalt  }
0x43: {  	_ =	shalt  }
0x44: {  	_ =	shalt  }
0x45: {  	_ =	shalt  }
0x46: {  	_ =	shalt  }
0x47: {  	_ =	shalt  }
0x48: {  	_ =	shalt  }
0x49: {  	_ =	shalt  }
0x4a: {  	_ =	shalt  }
0x4b: {  	_ =	shalt  }
0x4c: {  	_ =	shalt  }
0x4d: {  	_ =	shalt  }
0x4e: {  	_ =	shalt  }
0x4f: {  	_ =	shalt  }
0x50: {  	_ =	shalt  }
0x51: {  	_ =	shalt  }
0x52: {  	_ =	shalt  }
0x53: {  	_ =	shalt  }
0x54: {  	_ =	shalt  }
0x55: {  	_ =	shalt  }
0x56: {  	_ =	shalt  }
0x57: {  	_ =	shalt  }
0x58: {  	_ =	shalt  }
0x59: {  	_ =	shalt  }
0x5a: {  	_ =	shalt  }
0x5b: {  	_ =	shalt  }
0x5c: {  	_ =	shalt  }
0x5d: {  	_ =	shalt  }
0x5e: {  	_ =	shalt  }
0x5f: {  	_ =	shalt  }
0x60: {  	_ =	shalt  }
0x61: {  	_ =	shalt  }
0x62: {  	_ =	shalt  }
0x63: {  	_ =	shalt  }
0x64: {  	_ =	shalt  }
0x65: {  	_ =	shalt  }
0x66: {  	_ =	shalt  }
0x67: {  	_ =	shalt  }
0x68: {  	_ =	shalt  }
0x69: {  	_ =	shalt  }
0x6a: {  	_ =	shalt  }
0x6b: {  	_ =	shalt  }
0x6c: {  	_ =	shalt  }
0x6d: {  	_ =	shalt  }
0x6e: {  	_ =	shalt  }
0x6f: {  	_ =	shalt  }
0x70: {  	_ =	shalt  }
0x71: {  	_ =	shalt  }
0x72: {  	_ =	shalt  }
0x73: {  	_ =	shalt  }
0x74: {  	_ =	shalt  }
0x75: {  	_ =	shalt  }
0x76: {  	_ =	shalt  }
0x77: {  	_ =	shalt  }
0x78: {  	_ =	shalt  }
0x79: {  	_ =	shalt  }
0x7a: {  	_ =	shalt  }
0x7b: {  	_ =	shalt  }
0x7c: {  	_ =	shalt  }
0x7d: {  	_ =	shalt  }
0x7e: {  	_ =	shalt  }
0x7f: {  	_ =	shalt  }
0x80: {  	_ =	shalt  }
0x81: {  	_ =	shalt  }
0x82: {  	_ =	shalt  }
0x83: {  	_ =	shalt  }
0x84: {  	_ =	shalt  }
0x85: {  	_ =	shalt  }
0x86: {  	_ =	shalt  }
0x87: {  	_ =	shalt  }
.Lfunc_end0:
.L_simem_size_0:
called_computation_lowered:
.L_overlay_start_0:
0x88: {  	s2 =	sld [smem:$0x3FD9]  }
0x89: {  	s3 =	sld [smem:$0x3FFE];
	_ =	sdelay $0x1  }
0x8a: {  	s1 =	srdreg.scid  }
0x8b: {  	s0 =	sand.u32 $0x1, s1  }
0x8c: {  	s16 =	sshll.u32 s0, $0xA;
	s2 =	sadd.s32 s3, s2  }
0x8d: {  	s2 =	sadd.s32 s2, s16  }
0x8e: {  	[smem:$0x3FC5] =	sst s2  }
0x8f: {  	_ = 	snop  }
0x90: {  	(tm) =	ssettm $0x1  }
0x91: {  	s17 =	sld [smem:$0x3FFB];
	_ =	sdelay $0x3  }
0x92: {  	_ =	strace s17  }
0x93: {  	s2 =	sld [smem:$0x3FFC];
	_ =	sdelay $0x3  }
0x94: {  	_ =	strace s2  }
0x95: {  	s2 =	sld [smem:$0x3FFD];
	_ =	sdelay $0x3  }
0x96: {  	_ =	strace s2  }
0x97: {  	_ =	strace $0x8FFFFFFF  }
0x98: {  	s18 =	sld [smem:$0x3FDB];
	_ =	sdelay $0x1  }
0x99: {  	s19 =	simm.s32 $_scs_section_size  }
0x9a: {  	s4 =	simm.s32 $_size__tile_overlayer_lowered;
	s5 =	simm.s32 $_tile_overlayer_lowered  }
0x9b: {  	s22 =	simm.s32 $0x1BFF;
	s21 =	sshll.u32 s5, $0x1;
	s2 =	sadd.s32 s19, s18  }
0x9c: {  	s6 =	simm.s32 $0x0;
	s20 =	sshll.u32 s4, $0x1;
	s4 =	sadd.s32 s21, s2  }
0x9d: {  	[timem:s6], [sflag:s22] =	dma.local [hbm:s4], s20  }
0x9e: {  	_ =	swait.ge [sflag:s22], s20  }
0x9f: {  	s3 =	ssub.s32 $0x0, s20;
	[sflag:s22] =	ssyncset.done $0x0  }
0xa0: {  	[sflag:s22] =	ssyncadd.s32 s3;
	_ =	sdelay $0x1  }
0xa1: {  	s23 =	simm.s32 $0x1B8B  }
0xa2: {  	_ =	swait.ge [sflag:s23], $0x1  }
0xa3: {  	[sflag:s23] =	ssyncset.done $0x0  }
0xa4: {  	s25 =	simm.s32 $0x1B8E;
	s24 =	sld [smem:$0x3FFE];
	[sflag:s23] =	ssyncadd.s32 $0xFFFFFFFF  }
0xa5: {  	s26 =	simm.s32 $execute0_lowered;
	[smem:$0x3FD2] =	sst s25  }
0xa6: {  	s4 =	sshll.u32 s26, $0x1;
	_ =	strace $0x80000046;
	[dreg:$0x1] =	wrdreg $0xFFFFFFFF  }
0xa7: {  	s28 =	simm.s32 $_size_execute0_lowered;
	s2 =	sadd.s32 s2, s4;
	[dreg:$0x0] =	wrdreg $0x0  }
0xa8: {  	s4 =	sshll.u32 s28, $0x1;
	[dreg:$0x2] =	wrdreg s2  }
0xa9: {  	[dreg:$0x3] =	wrdreg s4  }
0xaa: {  	[dreg:$0x4] =	wrdreg $0xC0  }
0xab: {  	_ =	task [dreg:s6], $0x5FFFF  }
0xac: {  	[dreg:$0x1] =	wrdreg $0xFFFFFFFF  }
0xad: {  	[dreg:$0x0] =	wrdreg $0x60  }
0xae: {  	[dreg:$0x2] =	wrdreg s24  }
0xaf: {  	[dreg:$0x3] =	wrdreg $0x9  }
0xb0: {  	_ =	task.clear_ibuf [dreg:s6], $0x4FFFF;
	_ =	strace $0x90000046  }
0xb1: {  	s29 =	simm.s32 $0x9;
	_ =	strace $0x80000048  }
0xb2: {  	_ =	swait.ge [sflag:s29], $0x1  }
0xb3: {  	[sflag:s29] =	ssyncadd.s32 $0xFFFFFFFF  }
0xb4: {  	_ =	strace $0x90000048  }
0xb5: {  	_ =	sfence  }
0xb6: {  	s30 =	sld [smem:$0x0];
	_ =	sdelay $0x2  }
0xb7: {  	s31 =	sshll.u32 s1, $0xD;
	s1 =	sshrl.u32 s1, $0x2  }
0xb8: {  	s3 =	sand.u32 $0x4000, s31;
	s1 =	sadd.s32 s1, s30  }
0xb9: {  	s0 =	sor.u32 s3, s0;
	s1 =	sshll.u32 s1, $0x11  }
0xba: {  	s0 =	sor.u32 s1, s0  }
0xbb: {  	s0 =	sadd.s32 $0x8F2B, s0  }
0xbc: {  	[sflag:s0] =	ssyncadd.remote.s32 $0x1  }
0xbd: {  	_ =	sfence.sel $0xFFFF  }
0xbe: {  	[dreg:$0x0] =	wrdreg $0xFFFFFFFF;
	(pc) =	sbr.abs _section_cstart, $3  }
0xbf: {  	[dreg:$0x1] =	wrdreg $0xFFFFFFFF  }
0xc0: {  	_ =	task.clear_ibuf [dreg:s6], $0x2FFFF;
	_ =	strace $0x9FFFFFFF  }
0xc1: {  	(tm) =	ssettm $0x7FFFFFFF  }
tec
execute0_lowered:
.L_overlay_start_1:
0x0: {  	(tag) =	ssettag $0x1  }
0x1: {  	s1 =	stileid.u32  }
0x2: {  	p0 =	sgt.u32 s1, $0xA  }
.Ltmp0:
0x3: {  	_ = 	snop;
	(pc) =	sbr.rel @p0 .LBB2_8-.Ltmp0, $4  }
0x4: {  	_ = 	snop  }
0x5: {  	s0 =	rddreg [dreg:$0x0];
	s8 =	simm.s32 $0x0  }
0x6: {  	[smem:$0x7FF] =	sst s8  }
0x7: {  	s13 =	rddreg [dreg:$0x1];
	_ =	strace $0x80000047  }
0x8: {  	s11 =	simm.s32 $0x480  }
0x9: {  	s12 =	simm.s32 $0x880;
	[dreg:$0x8] =	wrdreg s11  }
0xa: {  	s14 =	simm.s32 $0xC80;
	[dreg:$0x9] =	wrdreg s12  }
0xb: {  	s15 =	simm.s32 $0x1080;
	[dreg:$0xa] =	wrdreg s14  }
0xc: {  	s16 =	simm.s32 $0x100;
	[dreg:$0xb] =	wrdreg s15  }
0xd: {  	s1 =	srdreg.scid;
	s17 =	simm.s32 $0x500;
	[dreg:$0xc] =	wrdreg s16  }
0xe: {  	s2 =	stileid.u32;
	s18 =	simm.s32 $0x900;
	[dreg:$0xd] =	wrdreg s17  }
0xf: {  	s5 =	sadd.s32 $0xC00, s0;
	s19 =	simm.s32 $0xD00;
	[dreg:$0xe] =	wrdreg s18  }
0x10: {  	s6 =	sadd.s32 $0x6200, s0;
	s20 =	simm.s32 $0x1100;
	[dreg:$0xf] =	wrdreg s19  }
0x11: {  	s21 =	simm.s32 $0x180;
	s23 =	simm.s32 $0x580;
	[dreg:$0x10] =	wrdreg s20  }
0x12: {  	s24 =	simm.s32 $0x980;
	s25 =	simm.s32 $0xD80;
	[dreg:$0x11] =	wrdreg s21  }
0x13: {  	s26 =	simm.s32 $0x1180;
	s28 =	simm.s32 $0xC00;
	[dreg:$0x12] =	wrdreg s23  }
0x14: {  	s30 =	simm.s32 $0x1000;
	s31 =	simm.s32 $0x1400;
	[dreg:$0x13] =	wrdreg s24  }
0x15: {  	s29 =	simm.s32 $0x1480;
	p0 =	por $0x0, $0x0;
	[dreg:$0x14] =	wrdreg s25  }
0x16: {  	s1 =	sand.u32 $0x1, s1;
	[dreg:$0x15] =	wrdreg s26;
	s11 =	simm.s32 $0xE00  }
0x17: {  	s2 =	sshll.u32 s2, $0x8;
	s12 =	simm.s32 $0x1200;
	[dreg:$0x19] =	wrdreg s11  }
0x18: {  	s24 =	simm.s32 $0x2;
	s14 =	simm.s32 $0x280;
	[dreg:$0x1a] =	wrdreg s12  }
0x19: {  	s25 =	simm.s32 $0x400;
	s15 =	simm.s32 $0x680;
	[dreg:$0x1b] =	wrdreg s14  }
0x1a: {  	s26 =	simm.s32 $0x800;
	s16 =	simm.s32 $0xA80;
	[dreg:$0x1c] =	wrdreg s15  }
0x1b: {  	s23 =	simm.s32 $0x1500;
	s17 =	simm.s32 $0xE80;
	[dreg:$0x1d] =	wrdreg s16  }
0x1c: {  	s19 =	simm.s32 $0x1600;
	s18 =	simm.s32 $0x1280;
	[dreg:$0x1e] =	wrdreg s17  }
0x1d: {  	s20 =	simm.s32 $0x300;
	s21 =	simm.s32 $0x700;
	[dreg:$0x1f] =	wrdreg s18  }
0x1e: {  	s3 =	sshll.u32 s1, $0x7;
	s1 =	ssub.s32 $0x2, s1;
	[smem:$0x7FC] =	sst s20  }
0x1f: {  	s12 =	simm.s32 $0x1680;
	[smem:$0x7FD] =	sst s21;
	s15 =	simm.s32 $0xF00  }
0x20: {  	s16 =	simm.s32 $0x1300;
	s11 =	simm.s32 $0x1780;
	s17 =	simm.s32 $0x380  }
0x21: {  	s18 =	simm.s32 $0x780;
	s20 =	simm.s32 $0xB80;
	s21 =	simm.s32 $0xF80  }
0x22: {  	s14 =	simm.s32 $0x1380;
	s2 =	sor.u32 s3, s2;
	s22 =	sshrl.u32 s1, $0x1  }
0x23: {  	s3 =	sadd.s32 s2, s0;
	s2 =	sadd.s32 s5, s2;
	s5 =	sadd.s32 $0x7000, s0  }
0x24: {  	s1 =	ssub.s32 s1, s22;
	s4 =	sadd.s32 $0x1800, s3;
	[dreg:$0x7] =	wrdreg s2  }
0x25: {  	s22 =	simm.s32 $0x1580;
	s7 =	sadd.s32 $0x2400, s3;
	[dreg:$0x2] =	wrdreg s4  }
0x26: {  	s9 =	sadd.s32 $0x3000, s3;
	s10 =	sadd.s32 $0x3C00, s3;
	[dreg:$0x3] =	wrdreg s7  }
0x27: {  	s3 =	sadd.s32 $0x4800, s3;
	s1 =	smax.u32 s1, $0x1;
	[dreg:$0x4] =	wrdreg s9  }
0x28: {  	s2 =	simm.s32 $0x200;
	[dreg:$0x5] =	wrdreg s10;
	p1 =	sne.s32 s1, $0x1  }
.Ltmp1:
0x29: {  	[dreg:$0x6] =	wrdreg s3;
	s3 =	sadd.s32 $0x8C00, s0;
	(pc) =	sbr.rel @!p1 .LBB2_2-.Ltmp1, $4  }
0x2a: {  	s4 =	sadd.s32 $0x7E00, s0;
	s7 =	sadd.s32 $0x5400, s0;
	[dreg:$0x16] =	wrdreg s2  }
0x2b: {  	s9 =	simm.s32 $0x600;
	s0 =	sadd.s32 $0xFFFFFFFF, s1;
	s1 =	rddreg [dreg:$0x7]  }
0x2c: {  	s10 =	simm.s32 $0xA00;
	s2 =	simm.s32 $0x1;
	[dreg:$0x17] =	wrdreg s9  }
0x2d: {  	[dreg:$0x18] =	wrdreg s10;
	s9 =	simm.s32 $0x80;
	s10 =	simm.s32 $0x1700  }
0x2e: {  	[tilespmem:s8], [sflag:$0x2] =	stream.linear.gather [hbm4b:s1+s8], $0x400, $0x38;
	[tilespmem:$0x1800] =	vst v63  }
0x2f: {  	_ =	swait.ge [sflag:s24], $0x400  }
0x30: {  	[sflag:s24] =	ssyncset.done $0x0  }
0x31: {  	s13 =	rddreg [dreg:$0x2];
	[sflag:s24] =	ssyncadd.s32 $0xFFFFFC00  }
0x32: {  	[tilespmem:s25], [sflag:$0x2] =	stream.linear.gather [hbm4b:s13+s8], $0x400, $0x38;
	[tilespmem:$0x1800] =	vst v63  }
0x33: {  	_ =	swait.ge [sflag:s24], $0x400  }
0x34: {  	[sflag:s24] =	ssyncset.done $0x0  }
0x35: {  	s13 =	rddreg [dreg:$0x3];
	[sflag:s24] =	ssyncadd.s32 $0xFFFFFC00  }
0x36: {  	[tilespmem:s26], [sflag:$0x2] =	stream.linear.gather [hbm4b:s13+s8], $0x400, $0x38;
	[tilespmem:$0x1800] =	vst v63  }
0x37: {  	_ =	swait.ge [sflag:s24], $0x400  }
0x38: {  	[sflag:s24] =	ssyncset.done $0x0  }
0x39: {  	s13 =	rddreg [dreg:$0x4];
	[sflag:s24] =	ssyncadd.s32 $0xFFFFFC00  }
0x3a: {  	[tilespmem:s28], [sflag:$0x2] =	stream.linear.gather [hbm4b:s13+s8], $0x400, $0x38;
	[tilespmem:$0x1800] =	vst v63  }
0x3b: {  	_ =	swait.ge [sflag:s24], $0x400  }
0x3c: {  	[sflag:s24] =	ssyncset.done $0x0  }
0x3d: {  	s13 =	rddreg [dreg:$0x5];
	[sflag:s24] =	ssyncadd.s32 $0xFFFFFC00  }
0x3e: {  	[tilespmem:s30], [sflag:$0x2] =	stream.linear.gather [hbm4b:s13+s8], $0x400, $0x38;
	[tilespmem:$0x1800] =	vst v63  }
0x3f: {  	_ =	swait.ge [sflag:s24], $0x400  }
0x40: {  	[sflag:s24] =	ssyncset.done $0x0  }
0x41: {  	s13 =	rddreg [dreg:$0x6];
	[sflag:s24] =	ssyncadd.s32 $0xFFFFFC00  }
0x42: {  	[tilespmem:s31], [sflag:$0x2] =	stream.linear.gather [hbm4b:s13+s8], $0x400, $0x38;
	[tilespmem:$0x1800] =	vst v63  }
0x43: {  	_ =	swait.ge [sflag:s24], $0x400  }
0x44: {  	[sflag:s24] =	ssyncset.done $0x0  }
0x45: {  	[sflag:s24] =	ssyncadd.s32 $0xFFFFFC00  }
0x46: {  	[hbm4b:s3+s9] =	stream.indirect.scatter [tilespmem:s8], [sflag:$0x1], $0x1, s31, s9, $0xb8;
	[tilespmem:$0x1800] =	vst v63  }
0x47: {  	_ = 	snop  }
0x48: {  	[hbm4b:s4+s9] =	stream.indirect.scatter [tilespmem:s25], [sflag:$0x1], $0x1, s31, s9, $0xb8;
	[tilespmem:$0x1800] =	vst v63  }
0x49: {  	_ = 	snop  }
0x4a: {  	[hbm4b:s5+s9] =	stream.indirect.scatter [tilespmem:s26], [sflag:$0x1], $0x1, s31, s9, $0xb8;
	[tilespmem:$0x1800] =	vst v63  }
0x4b: {  	_ = 	snop  }
0x4c: {  	[hbm4b:s6+s9] =	stream.indirect.scatter [tilespmem:s28], [sflag:$0x1], $0x1, s31, s9, $0xb8;
	[tilespmem:$0x1800] =	vst v63  }
0x4d: {  	_ = 	snop  }
0x4e: {  	[hbm4b:s7+s9] =	stream.indirect.scatter [tilespmem:s30], [sflag:$0x1], $0x1, s31, s9, $0xb8;
	[tilespmem:$0x1800] =	vst v63  }
0x4f: {  	s1 =	rddreg [dreg:$0x8]  }
0x50: {  	[hbm4b:s3+s9] =	stream.indirect.scatter [tilespmem:s9], [sflag:$0x1], $0x1, s29, s9, $0xb8;
	[tilespmem:$0x1800] =	vst v63  }
0x51: {  	s13 =	smov.u32 s0;
	s0 =	rddreg [dreg:$0x9]  }
0x52: {  	[hbm4b:s4+s9] =	stream.indirect.scatter [tilespmem:s1], [sflag:$0x1], $0x1, s29, s9, $0xb8;
	[tilespmem:$0x1800] =	vst v63  }
0x53: {  	s1 =	rddreg [dreg:$0xa]  }
0x54: {  	[hbm4b:s5+s9] =	stream.indirect.scatter [tilespmem:s0], [sflag:$0x1], $0x1, s29, s9, $0xb8;
	[tilespmem:$0x1800] =	vst v63  }
0x55: {  	s0 =	rddreg [dreg:$0xb]  }
0x56: {  	[hbm4b:s6+s9] =	stream.indirect.scatter [tilespmem:s1], [sflag:$0x1], $0x1, s29, s9, $0xb8;
	[tilespmem:$0x1800] =	vst v63  }
0x57: {  	s1 =	rddreg [dreg:$0xc]  }
0x58: {  	[hbm4b:s7+s9] =	stream.indirect.scatter [tilespmem:s0], [sflag:$0x1], $0x1, s29, s9, $0xb8;
	[tilespmem:$0x1800] =	vst v63  }
0x59: {  	s0 =	rddreg [dreg:$0xd]  }
0x5a: {  	[hbm4b:s3+s9] =	stream.indirect.scatter [tilespmem:s1], [sflag:$0x1], $0x1, s23, s9, $0xb8;
	[tilespmem:$0x1800] =	vst v63  }
0x5b: {  	s1 =	rddreg [dreg:$0xe]  }
0x5c: {  	[hbm4b:s4+s9] =	stream.indirect.scatter [tilespmem:s0], [sflag:$0x1], $0x1, s23, s9, $0xb8;
	[tilespmem:$0x1800] =	vst v63  }
0x5d: {  	s0 =	rddreg [dreg:$0xf]  }
0x5e: {  	[hbm4b:s5+s9] =	stream.indirect.scatter [tilespmem:s1], [sflag:$0x1], $0x1, s23, s9, $0xb8;
	[tilespmem:$0x1800] =	vst v63  }
0x5f: {  	s1 =	rddreg [dreg:$0x10]  }
0x60: {  	[hbm4b:s6+s9] =	stream.indirect.scatter [tilespmem:s0], [sflag:$0x1], $0x1, s23, s9, $0xb8;
	[tilespmem:$0x1800] =	vst v63  }
0x61: {  	s0 =	rddreg [dreg:$0x11]  }
0x62: {  	[hbm4b:s7+s9] =	stream.indirect.scatter [tilespmem:s1], [sflag:$0x1], $0x1, s23, s9, $0xb8;
	[tilespmem:$0x1800] =	vst v63  }
0x63: {  	s1 =	rddreg [dreg:$0x12]  }
0x64: {  	[hbm4b:s3+s9] =	stream.indirect.scatter [tilespmem:s0], [sflag:$0x1], $0x1, s22, s9, $0xb8;
	[tilespmem:$0x1800] =	vst v63  }
0x65: {  	s0 =	rddreg [dreg:$0x13]  }
0x66: {  	[hbm4b:s4+s9] =	stream.indirect.scatter [tilespmem:s1], [sflag:$0x1], $0x1, s22, s9, $0xb8;
	[tilespmem:$0x1800] =	vst v63  }
0x67: {  	s1 =	rddreg [dreg:$0x14]  }
0x68: {  	[hbm4b:s5+s9] =	stream.indirect.scatter [tilespmem:s0], [sflag:$0x1], $0x1, s22, s9, $0xb8;
	[tilespmem:$0x1800] =	vst v63  }
0x69: {  	s0 =	rddreg [dreg:$0x15]  }
0x6a: {  	[hbm4b:s6+s9] =	stream.indirect.scatter [tilespmem:s1], [sflag:$0x1], $0x1, s22, s9, $0xb8;
	[tilespmem:$0x1800] =	vst v63  }
0x6b: {  	s1 =	rddreg [dreg:$0x16]  }
0x6c: {  	[hbm4b:s7+s9] =	stream.indirect.scatter [tilespmem:s0], [sflag:$0x1], $0x1, s22, s9, $0xb8;
	[tilespmem:$0x1800] =	vst v63  }
0x6d: {  	s0 =	rddreg [dreg:$0x17]  }
0x6e: {  	[hbm4b:s3+s9] =	stream.indirect.scatter [tilespmem:s1], [sflag:$0x1], $0x1, s19, s9, $0xb8;
	[tilespmem:$0x1800] =	vst v63  }
0x6f: {  	s1 =	rddreg [dreg:$0x18]  }
0x70: {  	[hbm4b:s4+s9] =	stream.indirect.scatter [tilespmem:s0], [sflag:$0x1], $0x1, s19, s9, $0xb8;
	[tilespmem:$0x1800] =	vst v63  }
0x71: {  	s0 =	rddreg [dreg:$0x19]  }
0x72: {  	[hbm4b:s5+s9] =	stream.indirect.scatter [tilespmem:s1], [sflag:$0x1], $0x1, s19, s9, $0xb8;
	[tilespmem:$0x1800] =	vst v63  }
0x73: {  	s1 =	rddreg [dreg:$0x1a]  }
0x74: {  	[hbm4b:s6+s9] =	stream.indirect.scatter [tilespmem:s0], [sflag:$0x1], $0x1, s19, s9, $0xb8;
	[tilespmem:$0x1800] =	vst v63  }
0x75: {  	s0 =	rddreg [dreg:$0x1b]  }
0x76: {  	[hbm4b:s7+s9] =	stream.indirect.scatter [tilespmem:s1], [sflag:$0x1], $0x1, s19, s9, $0xb8;
	[tilespmem:$0x1800] =	vst v63  }
0x77: {  	s1 =	rddreg [dreg:$0x1c]  }
0x78: {  	[hbm4b:s3+s9] =	stream.indirect.scatter [tilespmem:s0], [sflag:$0x1], $0x1, s12, s9, $0xb8;
	[tilespmem:$0x1800] =	vst v63  }
0x79: {  	s0 =	rddreg [dreg:$0x1d]  }
0x7a: {  	[hbm4b:s4+s9] =	stream.indirect.scatter [tilespmem:s1], [sflag:$0x1], $0x1, s12, s9, $0xb8;
	[tilespmem:$0x1800] =	vst v63  }
0x7b: {  	s1 =	rddreg [dreg:$0x1e]  }
0x7c: {  	[hbm4b:s5+s9] =	stream.indirect.scatter [tilespmem:s0], [sflag:$0x1], $0x1, s12, s9, $0xb8;
	[tilespmem:$0x1800] =	vst v63  }
0x7d: {  	s0 =	rddreg [dreg:$0x1f]  }
0x7e: {  	[hbm4b:s6+s9] =	stream.indirect.scatter [tilespmem:s1], [sflag:$0x1], $0x1, s12, s9, $0xb8;
	[tilespmem:$0x1800] =	vst v63  }
0x7f: {  	s1 =	sld [smem:$0x7FC]  }
0x80: {  	[hbm4b:s7+s9] =	stream.indirect.scatter [tilespmem:s0], [sflag:$0x1], $0x1, s12, s9, $0xb8;
	[tilespmem:$0x1800] =	vst v63  }
0x81: {  	s0 =	sld [smem:$0x7FD]  }
0x82: {  	[hbm4b:s3+s9] =	stream.indirect.scatter [tilespmem:s1], [sflag:$0x1], $0x1, s10, s9, $0xb8;
	[tilespmem:$0x1800] =	vst v63  }
0x83: {  	_ = 	snop  }
0x84: {  	[hbm4b:s4+s9] =	stream.indirect.scatter [tilespmem:s0], [sflag:$0x1], $0x1, s10, s9, $0xb8;
	[tilespmem:$0x1800] =	vst v63  }
0x85: {  	s1 =	simm.s32 $0xB00  }
0x86: {  	[hbm4b:s5+s9] =	stream.indirect.scatter [tilespmem:s1], [sflag:$0x1], $0x1, s10, s9, $0xb8;
	[tilespmem:$0x1800] =	vst v63  }
0x87: {  	_ = 	snop  }
0x88: {  	[hbm4b:s6+s9] =	stream.indirect.scatter [tilespmem:s15], [sflag:$0x1], $0x1, s10, s9, $0xb8;
	[tilespmem:$0x1800] =	vst v63  }
0x89: {  	_ = 	snop  }
0x8a: {  	[hbm4b:s7+s9] =	stream.indirect.scatter [tilespmem:s16], [sflag:$0x1], $0x1, s10, s9, $0xb8;
	[tilespmem:$0x1800] =	vst v63  }
0x8b: {  	_ = 	snop  }
0x8c: {  	[hbm4b:s3+s9] =	stream.indirect.scatter [tilespmem:s17], [sflag:$0x1], $0x1, s11, s9, $0xb8;
	[tilespmem:$0x1800] =	vst v63  }
0x8d: {  	_ = 	snop  }
0x8e: {  	[hbm4b:s4+s9] =	stream.indirect.scatter [tilespmem:s18], [sflag:$0x1], $0x1, s11, s9, $0xb8;
	[tilespmem:$0x1800] =	vst v63  }
0x8f: {  	_ = 	snop  }
0x90: {  	[hbm4b:s5+s9] =	stream.indirect.scatter [tilespmem:s20], [sflag:$0x1], $0x1, s11, s9, $0xb8;
	[tilespmem:$0x1800] =	vst v63  }
0x91: {  	_ = 	snop  }
0x92: {  	[hbm4b:s6+s9] =	stream.indirect.scatter [tilespmem:s21], [sflag:$0x1], $0x1, s11, s9, $0xb8;
	[tilespmem:$0x1800] =	vst v63  }
0x93: {  	_ = 	snop  }
0x94: {  	[hbm4b:s7+s9] =	stream.indirect.scatter [tilespmem:s14], [sflag:$0x1], $0x1, s11, s9, $0xb8;
	[tilespmem:$0x1800] =	vst v63  }
0x95: {  	_ =	swait.ge [sflag:s2], $0x80  }
0x96: {  	[sflag:s2] =	ssyncset.done $0x0  }
0x97: {  	[sflag:s2] =	ssyncadd.s32 $0xFFFFFF80  }
0x98: {  	_ =	swait.ge [sflag:s2], $0x80  }
0x99: {  	[sflag:s2] =	ssyncset.done $0x0  }
0x9a: {  	[sflag:s2] =	ssyncadd.s32 $0xFFFFFF80  }
0x9b: {  	_ =	swait.ge [sflag:s2], $0x80  }
0x9c: {  	[sflag:s2] =	ssyncset.done $0x0  }
0x9d: {  	[sflag:s2] =	ssyncadd.s32 $0xFFFFFF80  }
0x9e: {  	_ =	swait.ge [sflag:s2], $0x80  }
0x9f: {  	[sflag:s2] =	ssyncset.done $0x0  }
0xa0: {  	[sflag:s2] =	ssyncadd.s32 $0xFFFFFF80  }
0xa1: {  	_ =	swait.ge [sflag:s2], $0x80  }
0xa2: {  	[sflag:s2] =	ssyncset.done $0x0  }
0xa3: {  	[sflag:s2] =	ssyncadd.s32 $0xFFFFFF80  }
0xa4: {  	_ =	swait.ge [sflag:s2], $0x80  }
0xa5: {  	[sflag:s2] =	ssyncset.done $0x0  }
0xa6: {  	[sflag:s2] =	ssyncadd.s32 $0xFFFFFF80  }
0xa7: {  	_ =	swait.ge [sflag:s2], $0x80  }
0xa8: {  	[sflag:s2] =	ssyncset.done $0x0  }
0xa9: {  	[sflag:s2] =	ssyncadd.s32 $0xFFFFFF80  }
0xaa: {  	_ =	swait.ge [sflag:s2], $0x80  }
0xab: {  	[sflag:s2] =	ssyncset.done $0x0  }
0xac: {  	[sflag:s2] =	ssyncadd.s32 $0xFFFFFF80  }
0xad: {  	_ =	swait.ge [sflag:s2], $0x80  }
0xae: {  	[sflag:s2] =	ssyncset.done $0x0  }
0xaf: {  	[sflag:s2] =	ssyncadd.s32 $0xFFFFFF80  }
0xb0: {  	_ =	swait.ge [sflag:s2], $0x80  }
0xb1: {  	[sflag:s2] =	ssyncset.done $0x0  }
0xb2: {  	[sflag:s2] =	ssyncadd.s32 $0xFFFFFF80  }
0xb3: {  	_ =	swait.ge [sflag:s2], $0x80  }
0xb4: {  	[sflag:s2] =	ssyncset.done $0x0  }
0xb5: {  	[sflag:s2] =	ssyncadd.s32 $0xFFFFFF80  }
0xb6: {  	_ =	swait.ge [sflag:s2], $0x80  }
0xb7: {  	[sflag:s2] =	ssyncset.done $0x0  }
0xb8: {  	[sflag:s2] =	ssyncadd.s32 $0xFFFFFF80  }
0xb9: {  	_ =	swait.ge [sflag:s2], $0x80  }
0xba: {  	[sflag:s2] =	ssyncset.done $0x0  }
0xbb: {  	[sflag:s2] =	ssyncadd.s32 $0xFFFFFF80  }
0xbc: {  	_ =	swait.ge [sflag:s2], $0x80  }
0xbd: {  	[sflag:s2] =	ssyncset.done $0x0  }
0xbe: {  	[sflag:s2] =	ssyncadd.s32 $0xFFFFFF80  }
0xbf: {  	_ =	swait.ge [sflag:s2], $0x80  }
0xc0: {  	[sflag:s2] =	ssyncset.done $0x0  }
0xc1: {  	[sflag:s2] =	ssyncadd.s32 $0xFFFFFF80  }
0xc2: {  	_ =	swait.ge [sflag:s2], $0x80  }
0xc3: {  	[sflag:s2] =	ssyncset.done $0x0  }
0xc4: {  	[sflag:s2] =	ssyncadd.s32 $0xFFFFFF80  }
0xc5: {  	_ =	swait.ge [sflag:s2], $0x80  }
0xc6: {  	[sflag:s2] =	ssyncset.done $0x0  }
0xc7: {  	[sflag:s2] =	ssyncadd.s32 $0xFFFFFF80  }
0xc8: {  	_ =	swait.ge [sflag:s2], $0x80  }
0xc9: {  	[sflag:s2] =	ssyncset.done $0x0  }
0xca: {  	[sflag:s2] =	ssyncadd.s32 $0xFFFFFF80  }
0xcb: {  	_ =	swait.ge [sflag:s2], $0x80  }
0xcc: {  	[sflag:s2] =	ssyncset.done $0x0  }
0xcd: {  	[sflag:s2] =	ssyncadd.s32 $0xFFFFFF80  }
0xce: {  	_ =	swait.ge [sflag:s2], $0x80  }
0xcf: {  	[sflag:s2] =	ssyncset.done $0x0  }
0xd0: {  	[sflag:s2] =	ssyncadd.s32 $0xFFFFFF80  }
0xd1: {  	_ =	swait.ge [sflag:s2], $0x80  }
0xd2: {  	[sflag:s2] =	ssyncset.done $0x0  }
0xd3: {  	[sflag:s2] =	ssyncadd.s32 $0xFFFFFF80  }
0xd4: {  	_ =	swait.ge [sflag:s2], $0x80  }
0xd5: {  	[sflag:s2] =	ssyncset.done $0x0  }
0xd6: {  	[sflag:s2] =	ssyncadd.s32 $0xFFFFFF80  }
0xd7: {  	_ =	swait.ge [sflag:s2], $0x80  }
0xd8: {  	[sflag:s2] =	ssyncset.done $0x0  }
0xd9: {  	[sflag:s2] =	ssyncadd.s32 $0xFFFFFF80  }
0xda: {  	_ =	swait.ge [sflag:s2], $0x80  }
0xdb: {  	[sflag:s2] =	ssyncset.done $0x0  }
0xdc: {  	[sflag:s2] =	ssyncadd.s32 $0xFFFFFF80  }
0xdd: {  	_ =	swait.ge [sflag:s2], $0x80  }
0xde: {  	[sflag:s2] =	ssyncset.done $0x0  }
0xdf: {  	[sflag:s2] =	ssyncadd.s32 $0xFFFFFF80  }
0xe0: {  	_ =	swait.ge [sflag:s2], $0x80  }
0xe1: {  	[sflag:s2] =	ssyncset.done $0x0  }
0xe2: {  	[sflag:s2] =	ssyncadd.s32 $0xFFFFFF80  }
0xe3: {  	_ =	swait.ge [sflag:s2], $0x80  }
0xe4: {  	[sflag:s2] =	ssyncset.done $0x0  }
0xe5: {  	[sflag:s2] =	ssyncadd.s32 $0xFFFFFF80  }
0xe6: {  	_ =	swait.ge [sflag:s2], $0x80  }
0xe7: {  	[sflag:s2] =	ssyncset.done $0x0  }
0xe8: {  	[sflag:s2] =	ssyncadd.s32 $0xFFFFFF80  }
0xe9: {  	_ =	swait.ge [sflag:s2], $0x80  }
0xea: {  	[sflag:s2] =	ssyncset.done $0x0  }
0xeb: {  	[sflag:s2] =	ssyncadd.s32 $0xFFFFFF80  }
0xec: {  	_ =	swait.ge [sflag:s2], $0x80  }
0xed: {  	[sflag:s2] =	ssyncset.done $0x0  }
0xee: {  	[sflag:s2] =	ssyncadd.s32 $0xFFFFFF80  }
0xef: {  	_ =	swait.ge [sflag:s2], $0x80  }
0xf0: {  	[sflag:s2] =	ssyncset.done $0x0  }
0xf1: {  	[sflag:s2] =	ssyncadd.s32 $0xFFFFFF80  }
0xf2: {  	_ =	swait.ge [sflag:s2], $0x80  }
0xf3: {  	[sflag:s2] =	ssyncset.done $0x0  }
0xf4: {  	[sflag:s2] =	ssyncadd.s32 $0xFFFFFF80  }
0xf5: {  	_ =	swait.ge [sflag:s2], $0x80  }
0xf6: {  	[sflag:s2] =	ssyncset.done $0x0  }
0xf7: {  	[sflag:s2] =	ssyncadd.s32 $0xFFFFFF80  }
0xf8: {  	_ =	swait.ge [sflag:s2], $0x80  }
0xf9: {  	[sflag:s2] =	ssyncset.done $0x0  }
0xfa: {  	[sflag:s2] =	ssyncadd.s32 $0xFFFFFF80  }
0xfb: {  	_ =	swait.ge [sflag:s2], $0x80  }
0xfc: {  	[sflag:s2] =	ssyncset.done $0x0  }
0xfd: {  	[sflag:s2] =	ssyncadd.s32 $0xFFFFFF80  }
0xfe: {  	_ =	swait.ge [sflag:s2], $0x80  }
0xff: {  	[sflag:s2] =	ssyncset.done $0x0  }
0x100: {  	[sflag:s2] =	ssyncadd.s32 $0xFFFFFF80  }
0x101: {  	_ =	swait.ge [sflag:s2], $0x80  }
0x102: {  	[sflag:s2] =	ssyncset.done $0x0  }
0x103: {  	[sflag:s2] =	ssyncadd.s32 $0xFFFFFF80  }
0x104: {  	_ =	swait.ge [sflag:s2], $0x80  }
0x105: {  	[sflag:s2] =	ssyncset.done $0x0  }
0x106: {  	p1 =	sne.s32 s13, $0x1;
	[sflag:s2] =	ssyncadd.s32 $0xFFFFFF80  }
.Ltmp2:
0x107: {  	_ =	swait.ge [sflag:s2], $0x80;
	(pc) =	sbr.rel @!p1 .LBB2_4-.Ltmp2, $4  }
0x108: {  	[sflag:s2] =	ssyncset.done $0x0  }
0x109: {  	[sflag:s2] =	ssyncadd.s32 $0xFFFFFF80  }
0x10a: {  	p0 =	por $0x1, $0x1;
	_ =	swait.ge [sflag:s2], $0x80  }
0x10b: {  	s0 =	sadd.s32 $0xFFFFFFFF, s13;
	s1 =	rddreg [dreg:$0x7];
	[sflag:s2] =	ssyncset.done $0x0  }
.LBB2_5:
0x10c: {  	[sflag:s2] =	ssyncadd.s32 $0xFFFFFF80  }
0x10d: {  	[tilespmem:s8], [sflag:$0x2] =	stream.linear.gather [hbm4b:s1+s8], $0x400, $0x38;
	[tilespmem:$0x1800] =	vst v63  }
0x10e: {  	_ =	swait.ge [sflag:s24], $0x400  }
0x10f: {  	[sflag:s24] =	ssyncset.done $0x0  }
0x110: {  	s13 =	rddreg [dreg:$0x2];
	[sflag:s24] =	ssyncadd.s32 $0xFFFFFC00  }
0x111: {  	[tilespmem:s25], [sflag:$0x2] =	stream.linear.gather [hbm4b:s13+s8], $0x400, $0x38;
	[tilespmem:$0x1800] =	vst v63  }
0x112: {  	_ =	swait.ge [sflag:s24], $0x400  }
0x113: {  	[sflag:s24] =	ssyncset.done $0x0  }
0x114: {  	s13 =	rddreg [dreg:$0x3];
	[sflag:s24] =	ssyncadd.s32 $0xFFFFFC00  }
0x115: {  	[tilespmem:s26], [sflag:$0x2] =	stream.linear.gather [hbm4b:s13+s8], $0x400, $0x38;
	[tilespmem:$0x1800] =	vst v63  }
0x116: {  	_ =	swait.ge [sflag:s24], $0x400  }
0x117: {  	[sflag:s24] =	ssyncset.done $0x0  }
0x118: {  	s13 =	rddreg [dreg:$0x4];
	[sflag:s24] =	ssyncadd.s32 $0xFFFFFC00  }
0x119: {  	[tilespmem:s28], [sflag:$0x2] =	stream.linear.gather [hbm4b:s13+s8], $0x400, $0x38;
	[tilespmem:$0x1800] =	vst v63  }
0x11a: {  	_ =	swait.ge [sflag:s24], $0x400  }
0x11b: {  	[sflag:s24] =	ssyncset.done $0x0  }
0x11c: {  	s13 =	rddreg [dreg:$0x5];
	[sflag:s24] =	ssyncadd.s32 $0xFFFFFC00  }
0x11d: {  	[tilespmem:s30], [sflag:$0x2] =	stream.linear.gather [hbm4b:s13+s8], $0x400, $0x38;
	[tilespmem:$0x1800] =	vst v63  }
0x11e: {  	_ =	swait.ge [sflag:s24], $0x400  }
0x11f: {  	[sflag:s24] =	ssyncset.done $0x0  }
0x120: {  	s13 =	rddreg [dreg:$0x6];
	[sflag:s24] =	ssyncadd.s32 $0xFFFFFC00  }
0x121: {  	[tilespmem:s31], [sflag:$0x2] =	stream.linear.gather [hbm4b:s13+s8], $0x400, $0x38;
	[tilespmem:$0x1800] =	vst v63  }
0x122: {  	_ =	swait.ge [sflag:s24], $0x400  }
0x123: {  	[sflag:s24] =	ssyncset.done $0x0  }
0x124: {  	[sflag:s24] =	ssyncadd.s32 $0xFFFFFC00  }
0x125: {  	[hbm4b:s3+s9] =	stream.indirect.scatter [tilespmem:s8], [sflag:$0x1], $0x1, s31, s9, $0xb8;
	[tilespmem:$0x1800] =	vst v63  }
0x126: {  	_ = 	snop  }
0x127: {  	[hbm4b:s4+s9] =	stream.indirect.scatter [tilespmem:s25], [sflag:$0x1], $0x1, s31, s9, $0xb8;
	[tilespmem:$0x1800] =	vst v63  }
0x128: {  	_ = 	snop  }
0x129: {  	[hbm4b:s5+s9] =	stream.indirect.scatter [tilespmem:s26], [sflag:$0x1], $0x1, s31, s9, $0xb8;
	[tilespmem:$0x1800] =	vst v63  }
0x12a: {  	_ = 	snop  }
0x12b: {  	[hbm4b:s6+s9] =	stream.indirect.scatter [tilespmem:s28], [sflag:$0x1], $0x1, s31, s9, $0xb8;
	[tilespmem:$0x1800] =	vst v63  }
0x12c: {  	_ = 	snop  }
0x12d: {  	[hbm4b:s7+s9] =	stream.indirect.scatter [tilespmem:s30], [sflag:$0x1], $0x1, s31, s9, $0xb8;
	[tilespmem:$0x1800] =	vst v63  }
0x12e: {  	s1 =	rddreg [dreg:$0x8]  }
0x12f: {  	[hbm4b:s3+s9] =	stream.indirect.scatter [tilespmem:s9], [sflag:$0x1], $0x1, s29, s9, $0xb8;
	[tilespmem:$0x1800] =	vst v63  }
0x130: {  	s13 =	rddreg [dreg:$0x9]  }
0x131: {  	[hbm4b:s4+s9] =	stream.indirect.scatter [tilespmem:s1], [sflag:$0x1], $0x1, s29, s9, $0xb8;
	[tilespmem:$0x1800] =	vst v63  }
0x132: {  	s1 =	rddreg [dreg:$0xa]  }
0x133: {  	[hbm4b:s5+s9] =	stream.indirect.scatter [tilespmem:s13], [sflag:$0x1], $0x1, s29, s9, $0xb8;
	[tilespmem:$0x1800] =	vst v63  }
0x134: {  	s13 =	rddreg [dreg:$0xb]  }
0x135: {  	[hbm4b:s6+s9] =	stream.indirect.scatter [tilespmem:s1], [sflag:$0x1], $0x1, s29, s9, $0xb8;
	[tilespmem:$0x1800] =	vst v63  }
0x136: {  	s1 =	rddreg [dreg:$0xc]  }
0x137: {  	[hbm4b:s7+s9] =	stream.indirect.scatter [tilespmem:s13], [sflag:$0x1], $0x1, s29, s9, $0xb8;
	[tilespmem:$0x1800] =	vst v63  }
0x138: {  	s13 =	rddreg [dreg:$0xd]  }
0x139: {  	[hbm4b:s3+s9] =	stream.indirect.scatter [tilespmem:s1], [sflag:$0x1], $0x1, s23, s9, $0xb8;
	[tilespmem:$0x1800] =	vst v63  }
0x13a: {  	s1 =	rddreg [dreg:$0xe]  }
0x13b: {  	[hbm4b:s4+s9] =	stream.indirect.scatter [tilespmem:s13], [sflag:$0x1], $0x1, s23, s9, $0xb8;
	[tilespmem:$0x1800] =	vst v63  }
0x13c: {  	s13 =	rddreg [dreg:$0xf]  }
0x13d: {  	[hbm4b:s5+s9] =	stream.indirect.scatter [tilespmem:s1], [sflag:$0x1], $0x1, s23, s9, $0xb8;
	[tilespmem:$0x1800] =	vst v63  }
0x13e: {  	s1 =	rddreg [dreg:$0x10]  }
0x13f: {  	[hbm4b:s6+s9] =	stream.indirect.scatter [tilespmem:s13], [sflag:$0x1], $0x1, s23, s9, $0xb8;
	[tilespmem:$0x1800] =	vst v63  }
0x140: {  	s13 =	rddreg [dreg:$0x11]  }
0x141: {  	[hbm4b:s7+s9] =	stream.indirect.scatter [tilespmem:s1], [sflag:$0x1], $0x1, s23, s9, $0xb8;
	[tilespmem:$0x1800] =	vst v63  }
0x142: {  	s1 =	rddreg [dreg:$0x12]  }
0x143: {  	[hbm4b:s3+s9] =	stream.indirect.scatter [tilespmem:s13], [sflag:$0x1], $0x1, s22, s9, $0xb8;
	[tilespmem:$0x1800] =	vst v63  }
0x144: {  	s13 =	rddreg [dreg:$0x13]  }
0x145: {  	[hbm4b:s4+s9] =	stream.indirect.scatter [tilespmem:s1], [sflag:$0x1], $0x1, s22, s9, $0xb8;
	[tilespmem:$0x1800] =	vst v63  }
0x146: {  	s1 =	rddreg [dreg:$0x14]  }
0x147: {  	[hbm4b:s5+s9] =	stream.indirect.scatter [tilespmem:s13], [sflag:$0x1], $0x1, s22, s9, $0xb8;
	[tilespmem:$0x1800] =	vst v63  }
0x148: {  	s13 =	rddreg [dreg:$0x15]  }
0x149: {  	[hbm4b:s6+s9] =	stream.indirect.scatter [tilespmem:s1], [sflag:$0x1], $0x1, s22, s9, $0xb8;
	[tilespmem:$0x1800] =	vst v63  }
0x14a: {  	s1 =	rddreg [dreg:$0x16]  }
0x14b: {  	[hbm4b:s7+s9] =	stream.indirect.scatter [tilespmem:s13], [sflag:$0x1], $0x1, s22, s9, $0xb8;
	[tilespmem:$0x1800] =	vst v63  }
0x14c: {  	s13 =	rddreg [dreg:$0x17]  }
0x14d: {  	[hbm4b:s3+s9] =	stream.indirect.scatter [tilespmem:s1], [sflag:$0x1], $0x1, s19, s9, $0xb8;
	[tilespmem:$0x1800] =	vst v63  }
0x14e: {  	s1 =	rddreg [dreg:$0x18]  }
0x14f: {  	[hbm4b:s4+s9] =	stream.indirect.scatter [tilespmem:s13], [sflag:$0x1], $0x1, s19, s9, $0xb8;
	[tilespmem:$0x1800] =	vst v63  }
0x150: {  	s13 =	rddreg [dreg:$0x19]  }
0x151: {  	[hbm4b:s5+s9] =	stream.indirect.scatter [tilespmem:s1], [sflag:$0x1], $0x1, s19, s9, $0xb8;
	[tilespmem:$0x1800] =	vst v63  }
0x152: {  	s1 =	rddreg [dreg:$0x1a]  }
0x153: {  	[hbm4b:s6+s9] =	stream.indirect.scatter [tilespmem:s13], [sflag:$0x1], $0x1, s19, s9, $0xb8;
	[tilespmem:$0x1800] =	vst v63  }
0x154: {  	s13 =	rddreg [dreg:$0x1b]  }
0x155: {  	[hbm4b:s7+s9] =	stream.indirect.scatter [tilespmem:s1], [sflag:$0x1], $0x1, s19, s9, $0xb8;
	[tilespmem:$0x1800] =	vst v63  }
0x156: {  	s1 =	rddreg [dreg:$0x1c]  }
0x157: {  	[hbm4b:s3+s9] =	stream.indirect.scatter [tilespmem:s13], [sflag:$0x1], $0x1, s12, s9, $0xb8;
	[tilespmem:$0x1800] =	vst v63  }
0x158: {  	s13 =	rddreg [dreg:$0x1d]  }
0x159: {  	[hbm4b:s4+s9] =	stream.indirect.scatter [tilespmem:s1], [sflag:$0x1], $0x1, s12, s9, $0xb8;
	[tilespmem:$0x1800] =	vst v63  }
0x15a: {  	s1 =	rddreg [dreg:$0x1e]  }
0x15b: {  	[hbm4b:s5+s9] =	stream.indirect.scatter [tilespmem:s13], [sflag:$0x1], $0x1, s12, s9, $0xb8;
	[tilespmem:$0x1800] =	vst v63  }
0x15c: {  	s13 =	rddreg [dreg:$0x1f]  }
0x15d: {  	[hbm4b:s6+s9] =	stream.indirect.scatter [tilespmem:s1], [sflag:$0x1], $0x1, s12, s9, $0xb8;
	[tilespmem:$0x1800] =	vst v63  }
0x15e: {  	s1 =	sld [smem:$0x7FC]  }
0x15f: {  	[hbm4b:s7+s9] =	stream.indirect.scatter [tilespmem:s13], [sflag:$0x1], $0x1, s12, s9, $0xb8;
	[tilespmem:$0x1800] =	vst v63  }
0x160: {  	s13 =	sld [smem:$0x7FD]  }
0x161: {  	[hbm4b:s3+s9] =	stream.indirect.scatter [tilespmem:s1], [sflag:$0x1], $0x1, s10, s9, $0xb8;
	[tilespmem:$0x1800] =	vst v63  }
0x162: {  	_ = 	snop  }
0x163: {  	[hbm4b:s4+s9] =	stream.indirect.scatter [tilespmem:s13], [sflag:$0x1], $0x1, s10, s9, $0xb8;
	[tilespmem:$0x1800] =	vst v63  }
0x164: {  	s13 =	simm.s32 $0xB00  }
0x165: {  	[hbm4b:s5+s9] =	stream.indirect.scatter [tilespmem:s13], [sflag:$0x1], $0x1, s10, s9, $0xb8;
	[tilespmem:$0x1800] =	vst v63  }
0x166: {  	_ = 	snop  }
0x167: {  	[hbm4b:s6+s9] =	stream.indirect.scatter [tilespmem:s15], [sflag:$0x1], $0x1, s10, s9, $0xb8;
	[tilespmem:$0x1800] =	vst v63  }
0x168: {  	_ = 	snop  }
0x169: {  	[hbm4b:s7+s9] =	stream.indirect.scatter [tilespmem:s16], [sflag:$0x1], $0x1, s10, s9, $0xb8;
	[tilespmem:$0x1800] =	vst v63  }
0x16a: {  	_ = 	snop  }
0x16b: {  	[hbm4b:s3+s9] =	stream.indirect.scatter [tilespmem:s17], [sflag:$0x1], $0x1, s11, s9, $0xb8;
	[tilespmem:$0x1800] =	vst v63  }
0x16c: {  	_ = 	snop  }
0x16d: {  	[hbm4b:s4+s9] =	stream.indirect.scatter [tilespmem:s18], [sflag:$0x1], $0x1, s11, s9, $0xb8;
	[tilespmem:$0x1800] =	vst v63  }
0x16e: {  	_ = 	snop  }
0x16f: {  	[hbm4b:s5+s9] =	stream.indirect.scatter [tilespmem:s20], [sflag:$0x1], $0x1, s11, s9, $0xb8;
	[tilespmem:$0x1800] =	vst v63  }
0x170: {  	_ = 	snop  }
0x171: {  	[hbm4b:s6+s9] =	stream.indirect.scatter [tilespmem:s21], [sflag:$0x1], $0x1, s11, s9, $0xb8;
	[tilespmem:$0x1800] =	vst v63  }
0x172: {  	_ = 	snop  }
0x173: {  	[hbm4b:s7+s9] =	stream.indirect.scatter [tilespmem:s14], [sflag:$0x1], $0x1, s11, s9, $0xb8;
	[tilespmem:$0x1800] =	vst v63  }
0x174: {  	_ =	swait.ge [sflag:s2], $0x80  }
0x175: {  	[sflag:s2] =	ssyncset.done $0x0  }
0x176: {  	[sflag:s2] =	ssyncadd.s32 $0xFFFFFF80  }
0x177: {  	_ =	swait.ge [sflag:s2], $0x80  }
0x178: {  	[sflag:s2] =	ssyncset.done $0x0  }
0x179: {  	[sflag:s2] =	ssyncadd.s32 $0xFFFFFF80  }
0x17a: {  	_ =	swait.ge [sflag:s2], $0x80  }
0x17b: {  	[sflag:s2] =	ssyncset.done $0x0  }
0x17c: {  	[sflag:s2] =	ssyncadd.s32 $0xFFFFFF80  }
0x17d: {  	_ =	swait.ge [sflag:s2], $0x80  }
0x17e: {  	[sflag:s2] =	ssyncset.done $0x0  }
0x17f: {  	[sflag:s2] =	ssyncadd.s32 $0xFFFFFF80  }
0x180: {  	_ =	swait.ge [sflag:s2], $0x80  }
0x181: {  	[sflag:s2] =	ssyncset.done $0x0  }
0x182: {  	[sflag:s2] =	ssyncadd.s32 $0xFFFFFF80  }
0x183: {  	_ =	swait.ge [sflag:s2], $0x80  }
0x184: {  	[sflag:s2] =	ssyncset.done $0x0  }
0x185: {  	[sflag:s2] =	ssyncadd.s32 $0xFFFFFF80  }
0x186: {  	_ =	swait.ge [sflag:s2], $0x80  }
0x187: {  	[sflag:s2] =	ssyncset.done $0x0  }
0x188: {  	[sflag:s2] =	ssyncadd.s32 $0xFFFFFF80  }
0x189: {  	_ =	swait.ge [sflag:s2], $0x80  }
0x18a: {  	[sflag:s2] =	ssyncset.done $0x0  }
0x18b: {  	[sflag:s2] =	ssyncadd.s32 $0xFFFFFF80  }
0x18c: {  	_ =	swait.ge [sflag:s2], $0x80  }
0x18d: {  	[sflag:s2] =	ssyncset.done $0x0  }
0x18e: {  	[sflag:s2] =	ssyncadd.s32 $0xFFFFFF80  }
0x18f: {  	_ =	swait.ge [sflag:s2], $0x80  }
0x190: {  	[sflag:s2] =	ssyncset.done $0x0  }
0x191: {  	[sflag:s2] =	ssyncadd.s32 $0xFFFFFF80  }
0x192: {  	_ =	swait.ge [sflag:s2], $0x80  }
0x193: {  	[sflag:s2] =	ssyncset.done $0x0  }
0x194: {  	[sflag:s2] =	ssyncadd.s32 $0xFFFFFF80  }
0x195: {  	_ =	swait.ge [sflag:s2], $0x80  }
0x196: {  	[sflag:s2] =	ssyncset.done $0x0  }
0x197: {  	[sflag:s2] =	ssyncadd.s32 $0xFFFFFF80  }
0x198: {  	_ =	swait.ge [sflag:s2], $0x80  }
0x199: {  	[sflag:s2] =	ssyncset.done $0x0  }
0x19a: {  	[sflag:s2] =	ssyncadd.s32 $0xFFFFFF80  }
0x19b: {  	_ =	swait.ge [sflag:s2], $0x80  }
0x19c: {  	[sflag:s2] =	ssyncset.done $0x0  }
0x19d: {  	[sflag:s2] =	ssyncadd.s32 $0xFFFFFF80  }
0x19e: {  	_ =	swait.ge [sflag:s2], $0x80  }
0x19f: {  	[sflag:s2] =	ssyncset.done $0x0  }
0x1a0: {  	[sflag:s2] =	ssyncadd.s32 $0xFFFFFF80  }
0x1a1: {  	_ =	swait.ge [sflag:s2], $0x80  }
0x1a2: {  	[sflag:s2] =	ssyncset.done $0x0  }
0x1a3: {  	[sflag:s2] =	ssyncadd.s32 $0xFFFFFF80  }
0x1a4: {  	_ =	swait.ge [sflag:s2], $0x80  }
0x1a5: {  	[sflag:s2] =	ssyncset.done $0x0  }
0x1a6: {  	[sflag:s2] =	ssyncadd.s32 $0xFFFFFF80  }
0x1a7: {  	_ =	swait.ge [sflag:s2], $0x80  }
0x1a8: {  	[sflag:s2] =	ssyncset.done $0x0  }
0x1a9: {  	[sflag:s2] =	ssyncadd.s32 $0xFFFFFF80  }
0x1aa: {  	_ =	swait.ge [sflag:s2], $0x80  }
0x1ab: {  	[sflag:s2] =	ssyncset.done $0x0  }
0x1ac: {  	[sflag:s2] =	ssyncadd.s32 $0xFFFFFF80  }
0x1ad: {  	_ =	swait.ge [sflag:s2], $0x80  }
0x1ae: {  	[sflag:s2] =	ssyncset.done $0x0  }
0x1af: {  	[sflag:s2] =	ssyncadd.s32 $0xFFFFFF80  }
0x1b0: {  	_ =	swait.ge [sflag:s2], $0x80  }
0x1b1: {  	[sflag:s2] =	ssyncset.done $0x0  }
0x1b2: {  	[sflag:s2] =	ssyncadd.s32 $0xFFFFFF80  }
0x1b3: {  	_ =	swait.ge [sflag:s2], $0x80  }
0x1b4: {  	[sflag:s2] =	ssyncset.done $0x0  }
0x1b5: {  	[sflag:s2] =	ssyncadd.s32 $0xFFFFFF80  }
0x1b6: {  	_ =	swait.ge [sflag:s2], $0x80  }
0x1b7: {  	[sflag:s2] =	ssyncset.done $0x0  }
0x1b8: {  	[sflag:s2] =	ssyncadd.s32 $0xFFFFFF80  }
0x1b9: {  	_ =	swait.ge [sflag:s2], $0x80  }
0x1ba: {  	[sflag:s2] =	ssyncset.done $0x0  }
0x1bb: {  	[sflag:s2] =	ssyncadd.s32 $0xFFFFFF80  }
0x1bc: {  	_ =	swait.ge [sflag:s2], $0x80  }
0x1bd: {  	[sflag:s2] =	ssyncset.done $0x0  }
0x1be: {  	[sflag:s2] =	ssyncadd.s32 $0xFFFFFF80  }
0x1bf: {  	_ =	swait.ge [sflag:s2], $0x80  }
0x1c0: {  	[sflag:s2] =	ssyncset.done $0x0  }
0x1c1: {  	[sflag:s2] =	ssyncadd.s32 $0xFFFFFF80  }
0x1c2: {  	_ =	swait.ge [sflag:s2], $0x80  }
0x1c3: {  	[sflag:s2] =	ssyncset.done $0x0  }
0x1c4: {  	[sflag:s2] =	ssyncadd.s32 $0xFFFFFF80  }
0x1c5: {  	_ =	swait.ge [sflag:s2], $0x80  }
0x1c6: {  	[sflag:s2] =	ssyncset.done $0x0  }
0x1c7: {  	[sflag:s2] =	ssyncadd.s32 $0xFFFFFF80  }
0x1c8: {  	_ =	swait.ge [sflag:s2], $0x80  }
0x1c9: {  	[sflag:s2] =	ssyncset.done $0x0  }
0x1ca: {  	[sflag:s2] =	ssyncadd.s32 $0xFFFFFF80  }
0x1cb: {  	_ =	swait.ge [sflag:s2], $0x80  }
0x1cc: {  	[sflag:s2] =	ssyncset.done $0x0  }
0x1cd: {  	[sflag:s2] =	ssyncadd.s32 $0xFFFFFF80  }
0x1ce: {  	_ =	swait.ge [sflag:s2], $0x80  }
0x1cf: {  	[sflag:s2] =	ssyncset.done $0x0  }
0x1d0: {  	[sflag:s2] =	ssyncadd.s32 $0xFFFFFF80  }
0x1d1: {  	_ =	swait.ge [sflag:s2], $0x80  }
0x1d2: {  	[sflag:s2] =	ssyncset.done $0x0  }
0x1d3: {  	[sflag:s2] =	ssyncadd.s32 $0xFFFFFF80  }
0x1d4: {  	_ =	swait.ge [sflag:s2], $0x80  }
0x1d5: {  	[sflag:s2] =	ssyncset.done $0x0  }
0x1d6: {  	[sflag:s2] =	ssyncadd.s32 $0xFFFFFF80  }
0x1d7: {  	_ =	swait.ge [sflag:s2], $0x80  }
0x1d8: {  	[sflag:s2] =	ssyncset.done $0x0  }
0x1d9: {  	[sflag:s2] =	ssyncadd.s32 $0xFFFFFF80  }
0x1da: {  	_ =	swait.ge [sflag:s2], $0x80  }
0x1db: {  	[sflag:s2] =	ssyncset.done $0x0  }
0x1dc: {  	[sflag:s2] =	ssyncadd.s32 $0xFFFFFF80  }
0x1dd: {  	_ =	swait.ge [sflag:s2], $0x80  }
0x1de: {  	[sflag:s2] =	ssyncset.done $0x0  }
0x1df: {  	[sflag:s2] =	ssyncadd.s32 $0xFFFFFF80  }
0x1e0: {  	_ =	swait.ge [sflag:s2], $0x80  }
0x1e1: {  	[sflag:s2] =	ssyncset.done $0x0  }
0x1e2: {  	[sflag:s2] =	ssyncadd.s32 $0xFFFFFF80  }
0x1e3: {  	_ =	swait.ge [sflag:s2], $0x80  }
0x1e4: {  	[sflag:s2] =	ssyncset.done $0x0  }
0x1e5: {  	p1 =	sne.s32 s0, $0x1;
	[sflag:s2] =	ssyncadd.s32 $0xFFFFFF80  }
.Ltmp3:
0x1e6: {  	_ =	swait.ge [sflag:s2], $0x80;
	(pc) =	sbr.rel @p1 .LBB2_5-.Ltmp3, $4  }
0x1e7: {  	[sflag:s2] =	ssyncset.done $0x0  }
0x1e8: {  	[sflag:s2] =	ssyncadd.s32 $0xFFFFFF80  }
0x1e9: {  	_ =	swait.ge [sflag:s2], $0x80  }
0x1ea: {  	s0 =	sadd.s32 $0xFFFFFFFF, s0;
	s1 =	rddreg [dreg:$0x7];
	[sflag:s2] =	ssyncset.done $0x0  }
0x1eb: {  	s21 =	simm.s32 $0xF80;
	s20 =	simm.s32 $0xB80  }
0x1ec: {  	s18 =	simm.s32 $0x780;
	s17 =	simm.s32 $0x380;
	s16 =	simm.s32 $0x1300  }
0x1ed: {  	s15 =	simm.s32 $0xF00;
	s14 =	simm.s32 $0xB00;
	s13 =	rddreg [dreg:$0x1]  }
.LBB2_7:
0x1ee: {  	[sflag:s2] =	ssyncadd.s32 @p0 $0xFFFFFF80  }
0x1ef: {  	[tilespmem:s8], [sflag:$0x2] =	stream.linear.gather [hbm4b:s1+s8], $0x400, $0x38;
	[tilespmem:$0x1800] =	vst v63  }
0x1f0: {  	_ =	swait.ge [sflag:s24], $0x400  }
0x1f1: {  	[sflag:s24] =	ssyncset.done $0x0  }
0x1f2: {  	s0 =	rddreg [dreg:$0x2];
	[sflag:s24] =	ssyncadd.s32 $0xFFFFFC00  }
0x1f3: {  	[tilespmem:s25], [sflag:$0x2] =	stream.linear.gather [hbm4b:s0+s8], $0x400, $0x38;
	[tilespmem:$0x1800] =	vst v63  }
0x1f4: {  	_ =	swait.ge [sflag:s24], $0x400  }
0x1f5: {  	[sflag:s24] =	ssyncset.done $0x0  }
0x1f6: {  	s1 =	rddreg [dreg:$0x3];
	[sflag:s24] =	ssyncadd.s32 $0xFFFFFC00  }
0x1f7: {  	[tilespmem:s26], [sflag:$0x2] =	stream.linear.gather [hbm4b:s1+s8], $0x400, $0x38;
	[tilespmem:$0x1800] =	vst v63  }
0x1f8: {  	_ =	swait.ge [sflag:s24], $0x400  }
0x1f9: {  	[sflag:s24] =	ssyncset.done $0x0  }
0x1fa: {  	s1 =	rddreg [dreg:$0x4];
	[sflag:s24] =	ssyncadd.s32 $0xFFFFFC00  }
0x1fb: {  	[tilespmem:s28], [sflag:$0x2] =	stream.linear.gather [hbm4b:s1+s8], $0x400, $0x38;
	[tilespmem:$0x1800] =	vst v63  }
0x1fc: {  	_ =	swait.ge [sflag:s24], $0x400  }
0x1fd: {  	[sflag:s24] =	ssyncset.done $0x0  }
0x1fe: {  	s1 =	rddreg [dreg:$0x5];
	[sflag:s24] =	ssyncadd.s32 $0xFFFFFC00  }
0x1ff: {  	[tilespmem:s30], [sflag:$0x2] =	stream.linear.gather [hbm4b:s1+s8], $0x400, $0x38;
	[tilespmem:$0x1800] =	vst v63  }
0x200: {  	_ =	swait.ge [sflag:s24], $0x400  }
0x201: {  	[sflag:s24] =	ssyncset.done $0x0  }
0x202: {  	s1 =	rddreg [dreg:$0x6];
	[sflag:s24] =	ssyncadd.s32 $0xFFFFFC00  }
0x203: {  	[tilespmem:s31], [sflag:$0x2] =	stream.linear.gather [hbm4b:s1+s8], $0x400, $0x38;
	[tilespmem:$0x1800] =	vst v63  }
0x204: {  	_ =	swait.ge [sflag:s24], $0x400  }
0x205: {  	[sflag:s24] =	ssyncset.done $0x0  }
0x206: {  	[sflag:s24] =	ssyncadd.s32 $0xFFFFFC00  }
0x207: {  	[hbm4b:s3+s9] =	stream.indirect.scatter [tilespmem:s8], [sflag:$0x1], $0x1, s31, s9, $0xb8;
	[tilespmem:$0x1800] =	vst v63  }
0x208: {  	_ = 	snop  }
0x209: {  	[hbm4b:s4+s9] =	stream.indirect.scatter [tilespmem:s25], [sflag:$0x1], $0x1, s31, s9, $0xb8;
	[tilespmem:$0x1800] =	vst v63  }
0x20a: {  	_ = 	snop  }
0x20b: {  	[hbm4b:s5+s9] =	stream.indirect.scatter [tilespmem:s26], [sflag:$0x1], $0x1, s31, s9, $0xb8;
	[tilespmem:$0x1800] =	vst v63  }
0x20c: {  	_ = 	snop  }
0x20d: {  	[hbm4b:s6+s9] =	stream.indirect.scatter [tilespmem:s28], [sflag:$0x1], $0x1, s31, s9, $0xb8;
	[tilespmem:$0x1800] =	vst v63  }
0x20e: {  	_ = 	snop  }
0x20f: {  	[hbm4b:s7+s9] =	stream.indirect.scatter [tilespmem:s30], [sflag:$0x1], $0x1, s31, s9, $0xb8;
	[tilespmem:$0x1800] =	vst v63  }
0x210: {  	s1 =	rddreg [dreg:$0x8]  }
0x211: {  	[hbm4b:s3+s9] =	stream.indirect.scatter [tilespmem:s9], [sflag:$0x1], $0x1, s29, s9, $0xb8;
	[tilespmem:$0x1800] =	vst v63  }
0x212: {  	s24 =	rddreg [dreg:$0xa]  }
0x213: {  	[hbm4b:s4+s9] =	stream.indirect.scatter [tilespmem:s1], [sflag:$0x1], $0x1, s29, s9, $0xb8;
	[tilespmem:$0x1800] =	vst v63  }
0x214: {  	s8 =	rddreg [dreg:$0x9]  }
0x215: {  	[hbm4b:s5+s9] =	stream.indirect.scatter [tilespmem:s8], [sflag:$0x1], $0x1, s29, s9, $0xb8;
	[tilespmem:$0x1800] =	vst v63  }
0x216: {  	s25 =	rddreg [dreg:$0xb]  }
0x217: {  	[hbm4b:s6+s9] =	stream.indirect.scatter [tilespmem:s24], [sflag:$0x1], $0x1, s29, s9, $0xb8;
	[tilespmem:$0x1800] =	vst v63  }
0x218: {  	s26 =	rddreg [dreg:$0xc]  }
0x219: {  	[hbm4b:s7+s9] =	stream.indirect.scatter [tilespmem:s25], [sflag:$0x1], $0x1, s29, s9, $0xb8;
	[tilespmem:$0x1800] =	vst v63  }
0x21a: {  	s28 =	rddreg [dreg:$0xd]  }
0x21b: {  	[hbm4b:s3+s9] =	stream.indirect.scatter [tilespmem:s26], [sflag:$0x1], $0x1, s23, s9, $0xb8;
	[tilespmem:$0x1800] =	vst v63  }
0x21c: {  	s30 =	rddreg [dreg:$0xf]  }
0x21d: {  	[hbm4b:s4+s9] =	stream.indirect.scatter [tilespmem:s28], [sflag:$0x1], $0x1, s23, s9, $0xb8;
	[tilespmem:$0x1800] =	vst v63  }
0x21e: {  	s29 =	rddreg [dreg:$0xe]  }
0x21f: {  	[hbm4b:s5+s9] =	stream.indirect.scatter [tilespmem:s29], [sflag:$0x1], $0x1, s23, s9, $0xb8;
	[tilespmem:$0x1800] =	vst v63  }
0x220: {  	s31 =	rddreg [dreg:$0x10]  }
0x221: {  	[hbm4b:s6+s9] =	stream.indirect.scatter [tilespmem:s30], [sflag:$0x1], $0x1, s23, s9, $0xb8;
	[tilespmem:$0x1800] =	vst v63  }
0x222: {  	s8 =	rddreg [dreg:$0x11]  }
0x223: {  	[hbm4b:s7+s9] =	stream.indirect.scatter [tilespmem:s31], [sflag:$0x1], $0x1, s23, s9, $0xb8;
	[tilespmem:$0x1800] =	vst v63  }
0x224: {  	s24 =	rddreg [dreg:$0x12]  }
0x225: {  	[hbm4b:s3+s9] =	stream.indirect.scatter [tilespmem:s8], [sflag:$0x1], $0x1, s22, s9, $0xb8;
	[tilespmem:$0x1800] =	vst v63  }
0x226: {  	s25 =	rddreg [dreg:$0x13]  }
0x227: {  	[hbm4b:s4+s9] =	stream.indirect.scatter [tilespmem:s24], [sflag:$0x1], $0x1, s22, s9, $0xb8;
	[tilespmem:$0x1800] =	vst v63  }
0x228: {  	s26 =	rddreg [dreg:$0x14]  }
0x229: {  	[hbm4b:s5+s9] =	stream.indirect.scatter [tilespmem:s25], [sflag:$0x1], $0x1, s22, s9, $0xb8;
	[tilespmem:$0x1800] =	vst v63  }
0x22a: {  	s28 =	rddreg [dreg:$0x15]  }
0x22b: {  	[hbm4b:s6+s9] =	stream.indirect.scatter [tilespmem:s26], [sflag:$0x1], $0x1, s22, s9, $0xb8;
	[tilespmem:$0x1800] =	vst v63  }
0x22c: {  	s29 =	rddreg [dreg:$0x16]  }
0x22d: {  	[hbm4b:s7+s9] =	stream.indirect.scatter [tilespmem:s28], [sflag:$0x1], $0x1, s22, s9, $0xb8;
	[tilespmem:$0x1800] =	vst v63  }
0x22e: {  	s30 =	rddreg [dreg:$0x17]  }
0x22f: {  	[hbm4b:s3+s9] =	stream.indirect.scatter [tilespmem:s29], [sflag:$0x1], $0x1, s19, s9, $0xb8;
	[tilespmem:$0x1800] =	vst v63  }
0x230: {  	s31 =	rddreg [dreg:$0x18]  }
0x231: {  	[hbm4b:s4+s9] =	stream.indirect.scatter [tilespmem:s30], [sflag:$0x1], $0x1, s19, s9, $0xb8;
	[tilespmem:$0x1800] =	vst v63  }
0x232: {  	s23 =	rddreg [dreg:$0x1b]  }
0x233: {  	[hbm4b:s5+s9] =	stream.indirect.scatter [tilespmem:s31], [sflag:$0x1], $0x1, s19, s9, $0xb8;
	[tilespmem:$0x1800] =	vst v63  }
0x234: {  	s8 =	rddreg [dreg:$0x19]  }
0x235: {  	[hbm4b:s6+s9] =	stream.indirect.scatter [tilespmem:s8], [sflag:$0x1], $0x1, s19, s9, $0xb8;
	[tilespmem:$0x1800] =	vst v63  }
0x236: {  	s22 =	rddreg [dreg:$0x1a]  }
0x237: {  	[hbm4b:s7+s9] =	stream.indirect.scatter [tilespmem:s22], [sflag:$0x1], $0x1, s19, s9, $0xb8;
	[tilespmem:$0x1800] =	vst v63  }
0x238: {  	s24 =	rddreg [dreg:$0x1c]  }
0x239: {  	[hbm4b:s3+s9] =	stream.indirect.scatter [tilespmem:s23], [sflag:$0x1], $0x1, s12, s9, $0xb8;
	[tilespmem:$0x1800] =	vst v63  }
0x23a: {  	s25 =	rddreg [dreg:$0x1d]  }
0x23b: {  	[hbm4b:s4+s9] =	stream.indirect.scatter [tilespmem:s24], [sflag:$0x1], $0x1, s12, s9, $0xb8;
	[tilespmem:$0x1800] =	vst v63  }
0x23c: {  	s26 =	rddreg [dreg:$0x1e]  }
0x23d: {  	[hbm4b:s5+s9] =	stream.indirect.scatter [tilespmem:s25], [sflag:$0x1], $0x1, s12, s9, $0xb8;
	[tilespmem:$0x1800] =	vst v63  }
0x23e: {  	s28 =	rddreg [dreg:$0x1f]  }
0x23f: {  	[hbm4b:s6+s9] =	stream.indirect.scatter [tilespmem:s26], [sflag:$0x1], $0x1, s12, s9, $0xb8;
	[tilespmem:$0x1800] =	vst v63  }
0x240: {  	s29 =	sld [smem:$0x7FC]  }
0x241: {  	[hbm4b:s7+s9] =	stream.indirect.scatter [tilespmem:s28], [sflag:$0x1], $0x1, s12, s9, $0xb8;
	[tilespmem:$0x1800] =	vst v63  }
0x242: {  	s30 =	sld [smem:$0x7FD]  }
0x243: {  	[hbm4b:s3+s9] =	stream.indirect.scatter [tilespmem:s29], [sflag:$0x1], $0x1, s10, s9, $0xb8;
	[tilespmem:$0x1800] =	vst v63  }
0x244: {  	_ = 	snop  }
0x245: {  	[hbm4b:s4+s9] =	stream.indirect.scatter [tilespmem:s30], [sflag:$0x1], $0x1, s10, s9, $0xb8;
	[tilespmem:$0x1800] =	vst v63  }
0x246: {  	_ = 	snop  }
0x247: {  	[hbm4b:s5+s9] =	stream.indirect.scatter [tilespmem:s14], [sflag:$0x1], $0x1, s10, s9, $0xb8;
	[tilespmem:$0x1800] =	vst v63  }
0x248: {  	_ = 	snop  }
0x249: {  	[hbm4b:s6+s9] =	stream.indirect.scatter [tilespmem:s15], [sflag:$0x1], $0x1, s10, s9, $0xb8;
	[tilespmem:$0x1800] =	vst v63  }
0x24a: {  	_ = 	snop  }
0x24b: {  	[hbm4b:s7+s9] =	stream.indirect.scatter [tilespmem:s16], [sflag:$0x1], $0x1, s10, s9, $0xb8;
	[tilespmem:$0x1800] =	vst v63  }
0x24c: {  	_ = 	snop  }
0x24d: {  	[hbm4b:s3+s9] =	stream.indirect.scatter [tilespmem:s17], [sflag:$0x1], $0x1, s11, s9, $0xb8;
	[tilespmem:$0x1800] =	vst v63  }
0x24e: {  	_ = 	snop  }
0x24f: {  	[hbm4b:s4+s9] =	stream.indirect.scatter [tilespmem:s18], [sflag:$0x1], $0x1, s11, s9, $0xb8;
	[tilespmem:$0x1800] =	vst v63  }
0x250: {  	_ = 	snop  }
0x251: {  	[hbm4b:s5+s9] =	stream.indirect.scatter [tilespmem:s20], [sflag:$0x1], $0x1, s11, s9, $0xb8;
	[tilespmem:$0x1800] =	vst v63  }
0x252: {  	_ = 	snop  }
0x253: {  	[hbm4b:s6+s9] =	stream.indirect.scatter [tilespmem:s21], [sflag:$0x1], $0x1, s11, s9, $0xb8;
	[tilespmem:$0x1800] =	vst v63  }
0x254: {  	s31 =	simm.s32 $0x1380  }
0x255: {  	[hbm4b:s7+s9] =	stream.indirect.scatter [tilespmem:s31], [sflag:$0x1], $0x1, s11, s9, $0xb8;
	[tilespmem:$0x1800] =	vst v63  }
0x256: {  	_ =	swait.ge [sflag:s2], $0x80  }
0x257: {  	[sflag:s2] =	ssyncset.done $0x0  }
0x258: {  	[sflag:s2] =	ssyncadd.s32 $0xFFFFFF80  }
0x259: {  	_ =	swait.ge [sflag:s2], $0x80  }
0x25a: {  	[sflag:s2] =	ssyncset.done $0x0  }
0x25b: {  	[sflag:s2] =	ssyncadd.s32 $0xFFFFFF80  }
0x25c: {  	_ =	swait.ge [sflag:s2], $0x80  }
0x25d: {  	[sflag:s2] =	ssyncset.done $0x0  }
0x25e: {  	[sflag:s2] =	ssyncadd.s32 $0xFFFFFF80  }
0x25f: {  	_ =	swait.ge [sflag:s2], $0x80  }
0x260: {  	[sflag:s2] =	ssyncset.done $0x0  }
0x261: {  	[sflag:s2] =	ssyncadd.s32 $0xFFFFFF80  }
0x262: {  	_ =	swait.ge [sflag:s2], $0x80  }
0x263: {  	[sflag:s2] =	ssyncset.done $0x0  }
0x264: {  	[sflag:s2] =	ssyncadd.s32 $0xFFFFFF80  }
0x265: {  	_ =	swait.ge [sflag:s2], $0x80  }
0x266: {  	[sflag:s2] =	ssyncset.done $0x0  }
0x267: {  	[sflag:s2] =	ssyncadd.s32 $0xFFFFFF80  }
0x268: {  	_ =	swait.ge [sflag:s2], $0x80  }
0x269: {  	[sflag:s2] =	ssyncset.done $0x0  }
0x26a: {  	[sflag:s2] =	ssyncadd.s32 $0xFFFFFF80  }
0x26b: {  	_ =	swait.ge [sflag:s2], $0x80  }
0x26c: {  	[sflag:s2] =	ssyncset.done $0x0  }
0x26d: {  	[sflag:s2] =	ssyncadd.s32 $0xFFFFFF80  }
0x26e: {  	_ =	swait.ge [sflag:s2], $0x80  }
0x26f: {  	[sflag:s2] =	ssyncset.done $0x0  }
0x270: {  	[sflag:s2] =	ssyncadd.s32 $0xFFFFFF80  }
0x271: {  	_ =	swait.ge [sflag:s2], $0x80  }
0x272: {  	[sflag:s2] =	ssyncset.done $0x0  }
0x273: {  	[sflag:s2] =	ssyncadd.s32 $0xFFFFFF80  }
0x274: {  	_ =	swait.ge [sflag:s2], $0x80  }
0x275: {  	[sflag:s2] =	ssyncset.done $0x0  }
0x276: {  	[sflag:s2] =	ssyncadd.s32 $0xFFFFFF80  }
0x277: {  	_ =	swait.ge [sflag:s2], $0x80  }
0x278: {  	[sflag:s2] =	ssyncset.done $0x0  }
0x279: {  	[sflag:s2] =	ssyncadd.s32 $0xFFFFFF80  }
0x27a: {  	_ =	swait.ge [sflag:s2], $0x80  }
0x27b: {  	[sflag:s2] =	ssyncset.done $0x0  }
0x27c: {  	[sflag:s2] =	ssyncadd.s32 $0xFFFFFF80  }
0x27d: {  	_ =	swait.ge [sflag:s2], $0x80  }
0x27e: {  	[sflag:s2] =	ssyncset.done $0x0  }
0x27f: {  	[sflag:s2] =	ssyncadd.s32 $0xFFFFFF80  }
0x280: {  	_ =	swait.ge [sflag:s2], $0x80  }
0x281: {  	[sflag:s2] =	ssyncset.done $0x0  }
0x282: {  	[sflag:s2] =	ssyncadd.s32 $0xFFFFFF80  }
0x283: {  	_ =	swait.ge [sflag:s2], $0x80  }
0x284: {  	[sflag:s2] =	ssyncset.done $0x0  }
0x285: {  	[sflag:s2] =	ssyncadd.s32 $0xFFFFFF80  }
0x286: {  	_ =	swait.ge [sflag:s2], $0x80  }
0x287: {  	[sflag:s2] =	ssyncset.done $0x0  }
0x288: {  	[sflag:s2] =	ssyncadd.s32 $0xFFFFFF80  }
0x289: {  	_ =	swait.ge [sflag:s2], $0x80  }
0x28a: {  	[sflag:s2] =	ssyncset.done $0x0  }
0x28b: {  	[sflag:s2] =	ssyncadd.s32 $0xFFFFFF80  }
0x28c: {  	_ =	swait.ge [sflag:s2], $0x80  }
0x28d: {  	[sflag:s2] =	ssyncset.done $0x0  }
0x28e: {  	[sflag:s2] =	ssyncadd.s32 $0xFFFFFF80  }
0x28f: {  	_ =	swait.ge [sflag:s2], $0x80  }
0x290: {  	[sflag:s2] =	ssyncset.done $0x0  }
0x291: {  	[sflag:s2] =	ssyncadd.s32 $0xFFFFFF80  }
0x292: {  	_ =	swait.ge [sflag:s2], $0x80  }
0x293: {  	[sflag:s2] =	ssyncset.done $0x0  }
0x294: {  	[sflag:s2] =	ssyncadd.s32 $0xFFFFFF80  }
0x295: {  	_ =	swait.ge [sflag:s2], $0x80  }
0x296: {  	[sflag:s2] =	ssyncset.done $0x0  }
0x297: {  	[sflag:s2] =	ssyncadd.s32 $0xFFFFFF80  }
0x298: {  	_ =	swait.ge [sflag:s2], $0x80  }
0x299: {  	[sflag:s2] =	ssyncset.done $0x0  }
0x29a: {  	[sflag:s2] =	ssyncadd.s32 $0xFFFFFF80  }
0x29b: {  	_ =	swait.ge [sflag:s2], $0x80  }
0x29c: {  	[sflag:s2] =	ssyncset.done $0x0  }
0x29d: {  	[sflag:s2] =	ssyncadd.s32 $0xFFFFFF80  }
0x29e: {  	_ =	swait.ge [sflag:s2], $0x80  }
0x29f: {  	[sflag:s2] =	ssyncset.done $0x0  }
0x2a0: {  	[sflag:s2] =	ssyncadd.s32 $0xFFFFFF80  }
0x2a1: {  	_ =	swait.ge [sflag:s2], $0x80  }
0x2a2: {  	[sflag:s2] =	ssyncset.done $0x0  }
0x2a3: {  	[sflag:s2] =	ssyncadd.s32 $0xFFFFFF80  }
0x2a4: {  	_ =	swait.ge [sflag:s2], $0x80  }
0x2a5: {  	[sflag:s2] =	ssyncset.done $0x0  }
0x2a6: {  	[sflag:s2] =	ssyncadd.s32 $0xFFFFFF80  }
0x2a7: {  	_ =	swait.ge [sflag:s2], $0x80  }
0x2a8: {  	[sflag:s2] =	ssyncset.done $0x0  }
0x2a9: {  	[sflag:s2] =	ssyncadd.s32 $0xFFFFFF80  }
0x2aa: {  	_ =	swait.ge [sflag:s2], $0x80  }
0x2ab: {  	[sflag:s2] =	ssyncset.done $0x0  }
0x2ac: {  	[sflag:s2] =	ssyncadd.s32 $0xFFFFFF80  }
0x2ad: {  	_ =	swait.ge [sflag:s2], $0x80  }
0x2ae: {  	[sflag:s2] =	ssyncset.done $0x0  }
0x2af: {  	[sflag:s2] =	ssyncadd.s32 $0xFFFFFF80  }
0x2b0: {  	_ =	swait.ge [sflag:s2], $0x80  }
0x2b1: {  	[sflag:s2] =	ssyncset.done $0x0  }
0x2b2: {  	[sflag:s2] =	ssyncadd.s32 $0xFFFFFF80  }
0x2b3: {  	_ =	swait.ge [sflag:s2], $0x80  }
0x2b4: {  	[sflag:s2] =	ssyncset.done $0x0  }
0x2b5: {  	[sflag:s2] =	ssyncadd.s32 $0xFFFFFF80  }
0x2b6: {  	_ =	swait.ge [sflag:s2], $0x80  }
0x2b7: {  	[sflag:s2] =	ssyncset.done $0x0  }
0x2b8: {  	[sflag:s2] =	ssyncadd.s32 $0xFFFFFF80  }
0x2b9: {  	_ =	swait.ge [sflag:s2], $0x80  }
0x2ba: {  	[sflag:s2] =	ssyncset.done $0x0  }
0x2bb: {  	[sflag:s2] =	ssyncadd.s32 $0xFFFFFF80  }
0x2bc: {  	_ =	swait.ge [sflag:s2], $0x80  }
0x2bd: {  	[sflag:s2] =	ssyncset.done $0x0  }
0x2be: {  	[sflag:s2] =	ssyncadd.s32 $0xFFFFFF80  }
0x2bf: {  	_ =	swait.ge [sflag:s2], $0x80  }
0x2c0: {  	[sflag:s2] =	ssyncset.done $0x0  }
0x2c1: {  	[sflag:s2] =	ssyncadd.s32 $0xFFFFFF80  }
0x2c2: {  	_ =	swait.ge [sflag:s2], $0x80  }
0x2c3: {  	[sflag:s2] =	ssyncset.done $0x0  }
0x2c4: {  	[sflag:s2] =	ssyncadd.s32 $0xFFFFFF80  }
0x2c5: {  	_ =	swait.ge [sflag:s2], $0x80  }
0x2c6: {  	[sflag:s2] =	ssyncset.done $0x0  }
0x2c7: {  	[sflag:s2] =	ssyncadd.s32 $0xFFFFFF80  }
0x2c8: {  	_ =	swait.ge [sflag:s2], $0x80  }
0x2c9: {  	[sflag:s2] =	ssyncset.done $0x0  }
0x2ca: {  	[sflag:s2] =	ssyncadd.s32 $0xFFFFFF80  }
0x2cb: {  	_ =	swait.ge [sflag:s2], $0x80  }
0x2cc: {  	[sflag:s2] =	ssyncset.done $0x0  }
0x2cd: {  	s1 =	stileid.u32;
	[sflag:s2] =	ssyncadd.s32 $0xFFFFFF80  }
.LBB2_8:
0x2ce: {  	_ =	sfence.sel $0x180000  }
0x2cf: {  	[bflag:$0x0] =	sbarrier.arrive $0xFFFF  }
0x2d0: {  	p0 =	sne.s32 s1, $0x0;
	_ =	strace $0x90000047  }
0x2d1: {  	s0 =	sadd.s32 @!p0 $0x100000, s13;
	[bflag:$0x2] =	sbarrier.arrive $0xFFFF  }
0x2d2: {  	[sflag:s0] =	ssyncadd.tile.s32 @!p0 $0x1;
	_ =	shalt  }
.LBB2_2:
.Ltmp4:
0x2d3: {  	(pc) =	sbr.rel .LBB2_7-.Ltmp4, $4  }
0x2d4: {  	_ = 	snop  }
0x2d5: {  	s21 =	simm.s32 $0xF80  }
0x2d6: {  	s20 =	simm.s32 $0xB80;
	s18 =	simm.s32 $0x780;
	s17 =	simm.s32 $0x380  }
0x2d7: {  	s16 =	simm.s32 $0x1300;
	s15 =	simm.s32 $0xF00;
	s14 =	simm.s32 $0xB00  }
.LBB2_4:
.Ltmp5:
0x2d8: {  	(pc) =	sbr.rel .LBB2_7-.Ltmp5, $4  }
0x2d9: {  	_ = 	snop  }
0x2da: {  	s21 =	simm.s32 $0xF80;
	s20 =	simm.s32 $0xB80  }
0x2db: {  	s18 =	simm.s32 $0x780;
	s17 =	simm.s32 $0x380;
	s16 =	simm.s32 $0x1300  }
0x2dc: {  	s15 =	simm.s32 $0xF00;
	s14 =	simm.s32 $0xB00;
	s13 =	rddreg [dreg:$0x1]  }
.Lfunc_end2:
_tile_overlayer_lowered:
.L_overlay_start_2:
0x2dd: {  	(tag) =	ssettag $0x2  }
0x2de: {  	s0 =	rddreg [dreg:$0x0];
	s2 =	stileid.u32  }
0x2df: {  	s1 =	rddreg [dreg:$0x1];
	p0 =	sne.s32 s2, $0x0  }
0x2e0: {  	s3 =	rddreg [dreg:$0x2];
	[bflag:$0x3] =	sbarrier.arrive $0xFFFF;
	s2 =	simm.s32 @!p0 $0x1C02  }
0x2e1: {  	[timem:s3], [sflag:s2] =	dma.local @!p0 [hbm:s0], s1  }
0x2e2: {  	s0 =	simm.s32 @!p0 $0x2  }
0x2e3: {  	_ =	swait.ge @!p0 [sflag:s0], s1  }
0x2e4: {  	s1 =	ssub.s32 @!p0 $0x0, s1;
	[sflag:s0] =	ssyncset.done @!p0 $0x0  }
0x2e5: {  	[sflag:s0] =	ssyncadd.s32 @!p0 s1  }
0x2e6: {  	[bflag:$0x3] =	sbarrier.arrive $0xFFFF  }
0x2e7: {  	_ =	shalt  }

</sc_bundles>
